<compile_context>
chip_gen: v7x
topology: tpu7x:2x2x1
jax: 0.10.2.dev20260603
libtpu: 0.0.44.dev20260713+nightly
codegen_flags: <defaults>
</compile_context>

<pallas_src>
import functools

import jax
import jax.numpy as jnp
from jax import lax
from jax.experimental import pallas as pl
from jax.experimental.pallas import tpu as pltpu
from jax.experimental.pallas import tpu_sc as plsc

B, T, D = 32, 8192, 128
TOP_K = 100
KPAD = 112
GPAD = 104
TBLK = 1024
NC, NS = 2, 16
MIN32 = -(2 ** 31)


def _score_body(w_ref, x_ref, b_ref, e_ref):
    for i in range(T // TBLK):
        logits = lax.dot_general(
            w_ref[...], x_ref[pl.ds(i * TBLK, TBLK), :],
            dimension_numbers=(((1,), (1,)), ((), ())),
            preferred_element_type=jnp.float32,
        )
        e_ref[pl.ds(i, 1), :] = jnp.tanh(
            logits + b_ref[:, pl.ds(i * TBLK, TBLK)])


def _scores(xf, W, b):
    return pl.pallas_call(
        _score_body,
        grid=(B,),
        in_specs=[
            pl.BlockSpec((1, D), lambda i: (0, 0)),
            pl.BlockSpec((T, D), lambda i: (i, 0)),
            pl.BlockSpec((1, T), lambda i: (0, 0)),
        ],
        out_specs=pl.BlockSpec((T // TBLK, TBLK), lambda i: (i, 0)),
        out_shape=jax.ShapeDtypeStruct((B * T // TBLK, TBLK), jnp.float32),
    )(W.reshape(1, D), xf, b.reshape(1, T))


def _thresh_body(e_ref, thr_ref):
    bits = lax.bitcast_convert_type(e_ref[...], jnp.int32)
    s = jnp.where(bits >= 0, bits, bits ^ jnp.int32(0x7FFFFFFF))

    def step(i, tu):
        bit = jnp.int32(31) - i
        cand = tu | (jnp.int32(1) << bit)
        cand_s = cand ^ MIN32
        cnt = jnp.sum((s >= cand_s).astype(jnp.int32), axis=1, keepdims=True)
        return jnp.where(cnt >= TOP_K, cand, tu)

    tu = lax.fori_loop(0, 32, step, jnp.zeros((B, 1), jnp.int32))
    thr_ref[...] = jnp.broadcast_to(tu ^ MIN32, (B, 16))


def _thresholds(e2):
    return pl.pallas_call(
        _thresh_body,
        out_shape=jax.ShapeDtypeStruct((B, 16), jnp.int32),
    )(e2)


def _key16(v):
    bits = lax.bitcast_convert_type(v, jnp.int32)
    return jnp.where(bits >= 0, bits, bits ^ jnp.int32(0x7FFFFFFF))


def _make_sc_topk():
    mesh = plsc.VectorSubcoreMesh(core_axis_name="c", subcore_axis_name="s")

    @functools.partial(
        pl.kernel,
        mesh=mesh,
        out_type=[
            jax.ShapeDtypeStruct((B, GPAD, D), jnp.float32),
            jax.ShapeDtypeStruct((B * KPAD,), jnp.float32),
        ],
        scratch_types=[
            pltpu.VMEM((T,), jnp.float32),
            pltpu.VMEM((16,), jnp.int32),
            pltpu.VMEM((T + 16,), jnp.int32),
            pltpu.VMEM((T + 16,), jnp.int32),
            pltpu.VMEM((GPAD,), jnp.int32),
            pltpu.VMEM((KPAD,), jnp.float32),
            pltpu.VMEM((KPAD,), jnp.float32),
            pltpu.VMEM((GPAD, D), jnp.float32),
            pltpu.SemaphoreType.DMA,
        ],
        compiler_params=pltpu.CompilerParams(needs_layout_passes=False),
    )
    def _sc_topk(e_hbm, thr_hbm, xf_hbm, feat_out, w_out,
                 e_row, thr_v, ckey, cidx, gsel, vsel, wbuf, fbuf, sem):
        b = lax.axis_index("s") * NC + lax.axis_index("c")
        pltpu.sync_copy(e_hbm.at[pl.ds(b * T, T)], e_row)
        pltpu.sync_copy(thr_hbm.at[pl.ds(b * 16, 16)], thr_v)
        t = thr_v[...]
        lanes = lax.iota(jnp.int32, 16)
        minv = jnp.full((16,), MIN32, jnp.int32)

        def compact_step(j, off):
            sk = _key16(e_row[pl.ds(j * 16, 16)])
            m = sk >= t
            pos = plsc.cumsum(jnp.where(m, 1, 0))
            dst = off + pos - 1
            plsc.store_scatter(ckey, [dst], sk, mask=m)
            plsc.store_scatter(cidx, [dst], lanes + j * 16, mask=m)
            return off + jnp.max(pos)

        c = lax.fori_loop(0, T // 16, compact_step, jnp.int32(0))
        ckey[pl.ds(c, 16)] = minv
        nv = lax.div(c + 15, jnp.int32(16))

        gsel[pl.ds(88, 16)] = jnp.zeros((16,), jnp.int32)

        def select_step(k, carry):
            def scan_vreg(j, st):
                best, bpos = st
                kv = ckey[pl.ds(j * 16, 16)]
                pos = lanes + j * 16
                upd = kv > best
                return jnp.where(upd, kv, best), jnp.where(upd, pos, bpos)

            best, bpos = lax.fori_loop(
                0, nv, scan_vreg, (minv, jnp.zeros((16,), jnp.int32)))
            m = jnp.max(best)
            p = jnp.min(jnp.where(best == jnp.full((16,), m, jnp.int32),
                                  bpos, jnp.full((16,), T, jnp.int32)))
            psplat = jnp.full((16,), p, jnp.int32)
            kv = plsc.load_gather(ckey, [psplat])
            iv = plsc.load_gather(cidx, [psplat])
            vbits = jnp.where(kv >= 0, kv, kv ^ jnp.int32(0x7FFFFFFF))
            val = lax.bitcast_convert_type(vbits, jnp.float32)
            lane0 = lanes == 0
            ksplat = jnp.full((16,), k, jnp.int32)
            plsc.store_scatter(vsel, [ksplat], val, mask=lane0)
            plsc.store_scatter(gsel, [ksplat], iv + b * T, mask=lane0)
            plsc.store_scatter(ckey, [psplat], minv, mask=lane0)
            return carry

        lax.fori_loop(0, TOP_K, select_step, jnp.int32(0))

        pltpu.async_copy(xf_hbm.at[gsel], fbuf, sem).wait()

        neg = jnp.full((16,), -1e30, jnp.float32)
        mx = neg
        for j in range(KPAD // 16):
            v = vsel[pl.ds(j * 16, 16)]
            inb = (lanes + j * 16) < TOP_K
            mx = jnp.maximum(mx, jnp.where(inb, v, neg))
        mxs = jnp.full((16,), jnp.max(mx), jnp.float32)
        acc = jnp.zeros((16,), jnp.float32)
        for j in range(KPAD // 16):
            v = vsel[pl.ds(j * 16, 16)]
            inb = (lanes + j * 16) < TOP_K
            ev = jnp.exp(jnp.where(inb, v, neg) - mxs)
            wbuf[pl.ds(j * 16, 16)] = ev
            acc = acc + ev
        ssum = jnp.full((16,), jnp.sum(acc), jnp.float32)
        for j in range(KPAD // 16):
            wbuf[pl.ds(j * 16, 16)] = wbuf[pl.ds(j * 16, 16)] / ssum

        pltpu.sync_copy(fbuf, feat_out.at[b])
        pltpu.sync_copy(wbuf, w_out.at[pl.ds(b * KPAD, KPAD)])

    return _sc_topk


def kernel(x, W, b):
    xf = x.reshape(B * T, D)
    e = _scores(xf, W, b)
    thr = _thresholds(e.reshape(B, T))
    feats_pad, wflat = _make_sc_topk()(e.reshape(B * T), thr.reshape(B * 16), xf)
    return (feats_pad[:, :TOP_K, :], wflat.reshape(B, KPAD)[:, :TOP_K, None])

# --- scband reference (transcript-rebuilt; emitter-appended) ---
"""Pipeline reference for scband-attention-top-k-27118423507289 (READ-ONLY COPY).

The authoritative reference and input builder live on the scoring server;
editing this copy changes nothing except your own understanding.
"""

import jax, jax.numpy as jnp
import numpy as np

B, T, D = 32, 8192, 128
TOP_K = 100


def setup_inputs(seed: int = 0) -> dict:
    key = jax.random.key(seed)
    k1, k2 = jax.random.split(key, 2)
    x = jax.random.normal(k1, (B, T, D), dtype=jnp.float32)
    # xavier_normal_ for W of shape (D, 1): std = sqrt(2 / (fan_in + fan_out)) = sqrt(2/(D+1))
    W = jax.random.normal(k2, (D, 1), dtype=jnp.float32) * np.sqrt(2.0 / (D + 1))
    b = jnp.zeros((T, 1), dtype=jnp.float32)
    return {"x": x, "W": W, "b": b}


def reference(x, W, b):
    # e = tanh(x @ W + b), shape (B, T, 1) -> (B, T)
    e = jnp.tanh(jnp.matmul(x, W) + b[None, :, :])
    e = jnp.squeeze(e, axis=-1)
    # topk over time dimension (last axis of e)
    top_k_values, top_k_indices = jax.lax.top_k(e, TOP_K)
    # gather features: (B, TOP_K, D)
    top_k_features = jnp.take_along_axis(x, top_k_indices[..., None], axis=1)
    top_k_weights = jax.nn.softmax(top_k_values, axis=1)[..., None]
    return (top_k_features, top_k_weights)

if __name__ == "__main__":
    import jax
    _d = setup_inputs()
    print(jax.jit(kernel)(*tuple(_d.values())))

</pallas_src>

<mosaic_0001>
#map = affine_map<(d0, d1) -> (0)>
#map1 = affine_map<(d0, d1) -> (0, 0)>
#map2 = affine_map<(d0, d1) -> (0, 0, 0)>
module attributes {stable_mosaic.version = 14 : i64} {
  func.func @_sc_topk(%arg0: i32, %arg1: i32, %arg2: memref<262144xf32, #tpu.memory_space<hbm>>, %arg3: memref<512xi32, #tpu.memory_space<hbm>>, %arg4: memref<262144x128xf32, #tpu.memory_space<hbm>>, %arg5: memref<32x104x128xf32, #tpu.memory_space<hbm>>, %arg6: memref<3584xf32, #tpu.memory_space<hbm>>, %arg7: memref<8192xf32, #tpu.memory_space<vmem>>, %arg8: memref<16xi32, #tpu.memory_space<vmem>>, %arg9: memref<8208xi32, #tpu.memory_space<vmem>>, %arg10: memref<8208xi32, #tpu.memory_space<vmem>>, %arg11: memref<104xi32, #tpu.memory_space<vmem>>, %arg12: memref<112xf32, #tpu.memory_space<vmem>>, %arg13: memref<112xf32, #tpu.memory_space<vmem>>, %arg14: memref<104x128xf32, #tpu.memory_space<vmem>>, %arg15: memref<!tpu.dma_semaphore, #tpu.memory_space<semaphore_mem>>) attributes {dimension_semantics = [#tpu.dimension_semantics<core_parallel>, #tpu.dimension_semantics<subcore_parallel>], iteration_bounds = array<i64: 2, 16>, scalar_prefetch = 0 : i64, scratch_operands = 9 : i64, tpu.core_type = #tpu.core_type<sc_vector_subcore>, window_params = [{transform_indices = #map}, {transform_indices = #map}, {transform_indices = #map1}, {transform_indices = #map2}, {transform_indices = #map}]} {
    %mul3A = arith.constant 2 : i32
    %mul3A_0 = arith.muli %arg1, %mul3A : i32
    %add3A = arith.addi %mul3A_0, %arg0 : i32
    %mul3A_1 = arith.constant 8192 : i32
    %mul3A_2 = arith.muli %add3A, %mul3A_1 : i32
    "tpu.region"() ({
      %run_scoped3A = tpu.sem_alloc : memref<!tpu.dma_semaphore, #tpu.memory_space<semaphore_mem>>
      %dma_start3A_243 = tpu.memref_slice %arg2[%mul3A_2] : memref<262144xf32, #tpu.memory_space<hbm>> -> memref<8192xf32, #tpu.memory_space<hbm>>
      %dma_start3A_244 = tpu.memref_slice %arg2[%mul3A_2] : memref<262144xf32, #tpu.memory_space<hbm>> -> memref<8192xf32, #tpu.memory_space<hbm>>
      tpu.enqueue_dma source(%dma_start3A_244 : memref<8192xf32, #tpu.memory_space<hbm>>) target(%arg7 : memref<8192xf32, #tpu.memory_space<vmem>>) target_semaphore(%run_scoped3A : memref<!tpu.dma_semaphore, #tpu.memory_space<semaphore_mem>>)
      %dma_wait3A_245 = tpu.memref_slice %arg2[%mul3A_2] : memref<262144xf32, #tpu.memory_space<hbm>> -> memref<8192xf32, #tpu.memory_space<hbm>>
      %dma_wait3A_246 = tpu.memref_slice %arg2[%mul3A_2] : memref<262144xf32, #tpu.memory_space<hbm>> -> memref<8192xf32, #tpu.memory_space<hbm>>
      tpu.wait_dma2 semaphore(%run_scoped3A : memref<!tpu.dma_semaphore, #tpu.memory_space<semaphore_mem>>) src(%dma_wait3A_246 : memref<8192xf32, #tpu.memory_space<hbm>>) dst(%arg7 : memref<8192xf32, #tpu.memory_space<vmem>>)
      tpu.yield
    }) : () -> ()
    %mul3A_3 = arith.constant 16 : i32
    %mul3A_4 = arith.muli %add3A, %mul3A_3 : i32
    "tpu.region"() ({
      %run_scoped3A = tpu.sem_alloc : memref<!tpu.dma_semaphore, #tpu.memory_space<semaphore_mem>>
      %dma_start3A_243 = tpu.memref_slice %arg3[%mul3A_4] : memref<512xi32, #tpu.memory_space<hbm>> -> memref<16xi32, #tpu.memory_space<hbm>>
      %dma_start3A_244 = tpu.memref_slice %arg3[%mul3A_4] : memref<512xi32, #tpu.memory_space<hbm>> -> memref<16xi32, #tpu.memory_space<hbm>>
      tpu.enqueue_dma source(%dma_start3A_244 : memref<16xi32, #tpu.memory_space<hbm>>) target(%arg8 : memref<16xi32, #tpu.memory_space<vmem>>) target_semaphore(%run_scoped3A : memref<!tpu.dma_semaphore, #tpu.memory_space<semaphore_mem>>)
      %dma_wait3A_245 = tpu.memref_slice %arg3[%mul3A_4] : memref<512xi32, #tpu.memory_space<hbm>> -> memref<16xi32, #tpu.memory_space<hbm>>
      %dma_wait3A_246 = tpu.memref_slice %arg3[%mul3A_4] : memref<512xi32, #tpu.memory_space<hbm>> -> memref<16xi32, #tpu.memory_space<hbm>>
      tpu.wait_dma2 semaphore(%run_scoped3A : memref<!tpu.dma_semaphore, #tpu.memory_space<semaphore_mem>>) src(%dma_wait3A_246 : memref<16xi32, #tpu.memory_space<hbm>>) dst(%arg8 : memref<16xi32, #tpu.memory_space<vmem>>)
      tpu.yield
    }) : () -> ()
    %get3A = arith.constant 0 : index
    %get3A_5 = tpu.vector_load %arg8[%get3A] {strides = array<i32>} : memref<16xi32, #tpu.memory_space<vmem>>, vector<16xi32>,
    %iota3A = tpu.iota {dimensions = array<i32: 0>} : vector<16xi32>
    %broadcast_in_dim3A = arith.constant -2147483648 : i32
    %broadcast_in_dim3A_6 = vector.broadcast %broadcast_in_dim3A : i32 to vector<16xi32>
    %scan3A = arith.constant 0 : i32
    %scan3A_7 = arith.constant 0 : i32
    %scan3A_8 = arith.constant 512 : i32
    %scan3A_9 = arith.addi %scan3A_7, %scan3A_8 : i32
    %scan3A_10 = arith.constant 1 : i32
    %scan3A_11 = scf.for %scan3A_243 = %scan3A_7 to %scan3A_9 step %scan3A_10 iter_args(%scan3A_244 = %scan3A) -> (i32)  : i32 {
      %mul3A_245 = arith.constant 16 : i32
      %mul3A_246 = arith.muli %scan3A_243, %mul3A_245 : i32
      %get3A_247 = arith.index_cast %mul3A_246 : i32 to index
      %get3A_248 = tpu.vector_load %arg7[%get3A_247] {strides = array<i32>} : memref<8192xf32, #tpu.memory_space<vmem>>, vector<16xf32>,
      %bitcast_convert_type3A = tpu.bitcast %get3A_248 : vector<16xf32> -> vector<16xi32>
      %ge3A = arith.constant 0 : i32
      %ge3A_249 = vector.broadcast %ge3A : i32 to vector<16xi32>
      %ge3A_250 = arith.cmpi sge, %bitcast_convert_type3A, %ge3A_249 : vector<16xi32>
      %xor3A = arith.constant 2147483647 : i32
      %xor3A_251 = vector.broadcast %xor3A : i32 to vector<16xi32>
      %xor3A_252 = arith.xori %bitcast_convert_type3A, %xor3A_251 : vector<16xi32>
      %select_n3A_253 = arith.select %ge3A_250, %bitcast_convert_type3A, %xor3A_252 : vector<16xi1>, vector<16xi32>
      %ge3A_254 = arith.cmpi sge, %select_n3A_253, %get3A_5 : vector<16xi32>
      %jit3A = arith.constant 1 : i32
      %jit3A_255 = arith.constant 0 : i32
      %broadcast_in_dim3A_256 = vector.broadcast %jit3A : i32 to vector<16xi32>
      %broadcast_in_dim3A_257 = vector.broadcast %jit3A_255 : i32 to vector<16xi32>
      %select_n3A_258 = arith.select %ge3A_254, %broadcast_in_dim3A_256, %broadcast_in_dim3A_257 : vector<16xi1>, vector<16xi32>
      %broadcast_in_dim3A_259 = arith.constant true
      %broadcast_in_dim3A_260 = vector.broadcast %broadcast_in_dim3A_259 : i1 to vector<16xi1>
      %masked_cumsum3A = tpu.scan <sum>, %select_n3A_258 masked %broadcast_in_dim3A_260 : vector<16xi32>, vector<16xi1> -> vector<16xi32>
      %add3A_261 = vector.broadcast %scan3A_244 : i32 to vector<16xi32>
      %add3A_262 = arith.addi %add3A_261, %masked_cumsum3A : vector<16xi32>
      %sub3A_263 = arith.constant 1 : i32
      %sub3A_264 = vector.broadcast %sub3A_263 : i32 to vector<16xi32>
      %sub3A_265 = arith.subi %add3A_262, %sub3A_264 : vector<16xi32>
      tpu.vector_store_idx %arg9[%sub3A_265], %select_n3A_253 masked %ge3A_254 : memref<8208xi32, #tpu.memory_space<vmem>>[vector<16xi32>], vector<16xi32>, vector<16xi1>
      %mul3A_266 = arith.constant 16 : i32
      %mul3A_267 = arith.muli %scan3A_243, %mul3A_266 : i32
      %add3A_268 = vector.broadcast %mul3A_267 : i32 to vector<16xi32>
      %add3A_269 = arith.addi %iota3A, %add3A_268 : vector<16xi32>
      tpu.vector_store_idx %arg10[%sub3A_265], %add3A_269 masked %ge3A_254 : memref<8208xi32, #tpu.memory_space<vmem>>[vector<16xi32>], vector<16xi32>, vector<16xi1>
      %reduce_max3A_270 = arith.constant true
      %reduce_max3A_271 = vector.broadcast %reduce_max3A_270 : i1 to vector<16xi1>
      %reduce_max3A_272 = arith.constant -2147483648 : i32
      %reduce_max3A_273 = vector.broadcast %reduce_max3A_272 : i32 to vector<16xi32>
      %reduce_max3A_274 = arith.xori %masked_cumsum3A, %reduce_max3A_273 : vector<16xi32>
      %reduce_max3A_275 = tpu.scan <max>, %reduce_max3A_274 masked %reduce_max3A_271 : vector<16xi32>, vector<16xi1> -> vector<16xi32>
      %reduce_max3A_276 = arith.xori %reduce_max3A_275, %reduce_max3A_273 : vector<16xi32>
      %reduce_max3A_277 = vector.extract %reduce_max3A_276[15] : i32 from vector<16xi32>
      %add3A_278 = arith.addi %scan3A_244, %reduce_max3A_277 : i32
      scf.yield %add3A_278 : i32
    }
    %scan3A_12 = arith.constant 512 : i32
    %swap3A = arith.index_cast %scan3A_11 : i32 to index
    %swap3A_13 = tpu.vector_load %arg9[%swap3A] {strides = array<i32>} : memref<8208xi32, #tpu.memory_space<vmem>>, vector<16xi32>,
    tpu.vector_store %arg9[%swap3A], %broadcast_in_dim3A_6 {strides = array<i32>} : memref<8208xi32, #tpu.memory_space<vmem>>, vector<16xi32>,
    %add3A_14 = arith.constant 15 : i32
    %add3A_15 = arith.addi %scan3A_11, %add3A_14 : i32
    %div3A = arith.constant 16 : i32
    %div3A_16 = arith.divsi %add3A_15, %div3A : i32
    %broadcast_in_dim3A_17 = arith.constant 0 : i32
    %broadcast_in_dim3A_18 = vector.broadcast %broadcast_in_dim3A_17 : i32 to vector<16xi32>
    %swap3A_19 = arith.constant 88 : index
    %swap3A_20 = tpu.vector_load %arg11[%swap3A_19] {strides = array<i32>} : memref<104xi32, #tpu.memory_space<vmem>>, vector<16xi32>,
    tpu.vector_store %arg11[%swap3A_19], %broadcast_in_dim3A_18 {strides = array<i32>} : memref<104xi32, #tpu.memory_space<vmem>>, vector<16xi32>,
    %scan3A_21 = arith.constant 0 : i32
    %scan3A_22 = arith.constant 0 : i32
    %scan3A_23 = arith.constant 100 : i32
    %scan3A_24 = arith.addi %scan3A_22, %scan3A_23 : i32
    %scan3A_25 = arith.constant 1 : i32
    scf.for %scan3A_243 = %scan3A_22 to %scan3A_24 step %scan3A_25  : i32 {
      %broadcast_in_dim3A_244 = arith.constant 0 : i32
      %broadcast_in_dim3A_245 = vector.broadcast %broadcast_in_dim3A_244 : i32 to vector<16xi32>
      %while3A = arith.constant 0 : i32
      %while3A_246 = arith.subi %div3A_16, %while3A : i32
      %while3A_247 = arith.addi %while3A, %while3A_246 : i32
      %while3A_248 = arith.constant 1 : i32
      %while3A_249 = arith.divsi %while3A_246, %while3A_248 : i32
      %while3A_250 = arith.muli %while3A_249, %while3A_248 : i32
      %while3A_251 = arith.addi %while3A, %while3A_250 : i32
      %while3A_252 = arith.constant 1 : i32
      %while3A_253:2 = scf.for %while3A_290 = %while3A to %while3A_251 step %while3A_252 iter_args(%while3A_291 = %broadcast_in_dim3A_6, %while3A_292 = %broadcast_in_dim3A_245) -> (vector<16xi32>, vector<16xi32>)  : i32 {
        %mul3A_293 = arith.constant 16 : i32
        %mul3A_294 = arith.muli %while3A_290, %mul3A_293 : i32
        %get3A_295 = arith.index_cast %mul3A_294 : i32 to index
        %get3A_296 = tpu.vector_load %arg9[%get3A_295] {strides = array<i32>} : memref<8208xi32, #tpu.memory_space<vmem>>, vector<16xi32>,
        %mul3A_297 = arith.constant 16 : i32
        %mul3A_298 = arith.muli %while3A_290, %mul3A_297 : i32
        %add3A_299 = vector.broadcast %mul3A_298 : i32 to vector<16xi32>
        %add3A_300 = arith.addi %iota3A, %add3A_299 : vector<16xi32>
        %gt3A = arith.cmpi sgt, %get3A_296, %while3A_291 : vector<16xi32>
        %select_n3A_301 = arith.select %gt3A, %get3A_296, %while3A_291 : vector<16xi1>, vector<16xi32>
        %select_n3A_302 = arith.select %gt3A, %add3A_300, %while3A_292 : vector<16xi1>, vector<16xi32>
        scf.yield %select_n3A_301, %select_n3A_302 : vector<16xi32>, vector<16xi32>
      }
      %while3A_254 = arith.constant 1 : i32
      %while3A_255:2 = scf.for %while3A_290 = %while3A_251 to %while3A_247 step %while3A_254 iter_args(%while3A_291 = %while3A_253#0, %while3A_292 = %while3A_253#1) -> (vector<16xi32>, vector<16xi32>)  : i32 {
        %mul3A_293 = arith.constant 16 : i32
        %mul3A_294 = arith.muli %while3A_290, %mul3A_293 : i32
        %get3A_295 = arith.index_cast %mul3A_294 : i32 to index
        %get3A_296 = tpu.vector_load %arg9[%get3A_295] {strides = array<i32>} : memref<8208xi32, #tpu.memory_space<vmem>>, vector<16xi32>,
        %mul3A_297 = arith.constant 16 : i32
        %mul3A_298 = arith.muli %while3A_290, %mul3A_297 : i32
        %add3A_299 = vector.broadcast %mul3A_298 : i32 to vector<16xi32>
        %add3A_300 = arith.addi %iota3A, %add3A_299 : vector<16xi32>
        %gt3A = arith.cmpi sgt, %get3A_296, %while3A_291 : vector<16xi32>
        %select_n3A_301 = arith.select %gt3A, %get3A_296, %while3A_291 : vector<16xi1>, vector<16xi32>
        %select_n3A_302 = arith.select %gt3A, %add3A_300, %while3A_292 : vector<16xi1>, vector<16xi32>
        scf.yield %select_n3A_301, %select_n3A_302 : vector<16xi32>, vector<16xi32>
      }
      %reduce_max3A_256 = arith.constant true
      %reduce_max3A_257 = vector.broadcast %reduce_max3A_256 : i1 to vector<16xi1>
      %reduce_max3A_258 = arith.constant -2147483648 : i32
      %reduce_max3A_259 = vector.broadcast %reduce_max3A_258 : i32 to vector<16xi32>
      %reduce_max3A_260 = arith.xori %while3A_255#0, %reduce_max3A_259 : vector<16xi32>
      %reduce_max3A_261 = tpu.scan <max>, %reduce_max3A_260 masked %reduce_max3A_257 : vector<16xi32>, vector<16xi1> -> vector<16xi32>
      %reduce_max3A_262 = arith.xori %reduce_max3A_261, %reduce_max3A_259 : vector<16xi32>
      %reduce_max3A_263 = vector.extract %reduce_max3A_262[15] : i32 from vector<16xi32>
      %broadcast_in_dim3A_264 = vector.broadcast %reduce_max3A_263 : i32 to vector<16xi32>
      %eq3A = arith.cmpi eq, %while3A_255#0, %broadcast_in_dim3A_264 : vector<16xi32>
      %broadcast_in_dim3A_265 = arith.constant 8192 : i32
      %broadcast_in_dim3A_266 = vector.broadcast %broadcast_in_dim3A_265 : i32 to vector<16xi32>
      %select_n3A_267 = arith.select %eq3A, %while3A_255#1, %broadcast_in_dim3A_266 : vector<16xi1>, vector<16xi32>
      %reduce_min3A = arith.constant true
      %reduce_min3A_268 = vector.broadcast %reduce_min3A : i1 to vector<16xi1>
      %reduce_min3A_269 = arith.constant -2147483648 : i32
      %reduce_min3A_270 = vector.broadcast %reduce_min3A_269 : i32 to vector<16xi32>
      %reduce_min3A_271 = arith.xori %select_n3A_267, %reduce_min3A_270 : vector<16xi32>
      %reduce_min3A_272 = tpu.scan <min>, %reduce_min3A_271 masked %reduce_min3A_268 : vector<16xi32>, vector<16xi1> -> vector<16xi32>
      %reduce_min3A_273 = arith.xori %reduce_min3A_272, %reduce_min3A_270 : vector<16xi32>
      %reduce_min3A_274 = vector.extract %reduce_min3A_273[15] : i32 from vector<16xi32>
      %broadcast_in_dim3A_275 = vector.broadcast %reduce_min3A_274 : i32 to vector<16xi32>
      %gather3A = tpu.vector_load_idx %arg9[%broadcast_in_dim3A_275] : memref<8208xi32, #tpu.memory_space<vmem>>[vector<16xi32>], vector<16xi32>,
      %gather3A_276 = tpu.vector_load_idx %arg10[%broadcast_in_dim3A_275] : memref<8208xi32, #tpu.memory_space<vmem>>[vector<16xi32>], vector<16xi32>,
      %ge3A = arith.constant 0 : i32
      %ge3A_277 = vector.broadcast %ge3A : i32 to vector<16xi32>
      %ge3A_278 = arith.cmpi sge, %gather3A, %ge3A_277 : vector<16xi32>
      %xor3A = arith.constant 2147483647 : i32
      %xor3A_279 = vector.broadcast %xor3A : i32 to vector<16xi32>
      %xor3A_280 = arith.xori %gather3A, %xor3A_279 : vector<16xi32>
      %select_n3A_281 = arith.select %ge3A_278, %gather3A, %xor3A_280 : vector<16xi1>, vector<16xi32>
      %bitcast_convert_type3A = tpu.bitcast %select_n3A_281 : vector<16xi32> -> vector<16xf32>
      %eq3A_282 = arith.constant 0 : i32
      %eq3A_283 = vector.broadcast %eq3A_282 : i32 to vector<16xi32>
      %eq3A_284 = arith.cmpi eq, %iota3A, %eq3A_283 : vector<16xi32>
      %broadcast_in_dim3A_285 = vector.broadcast %scan3A_243 : i32 to vector<16xi32>
      tpu.vector_store_idx %arg12[%broadcast_in_dim3A_285], %bitcast_convert_type3A masked %eq3A_284 : memref<112xf32, #tpu.memory_space<vmem>>[vector<16xi32>], vector<16xf32>, vector<16xi1>
      %mul3A_286 = arith.constant 8192 : i32
      %mul3A_287 = arith.muli %add3A, %mul3A_286 : i32
      %add3A_288 = vector.broadcast %mul3A_287 : i32 to vector<16xi32>
      %add3A_289 = arith.addi %gather3A_276, %add3A_288 : vector<16xi32>
      tpu.vector_store_idx %arg11[%broadcast_in_dim3A_285], %add3A_289 masked %eq3A_284 : memref<104xi32, #tpu.memory_space<vmem>>[vector<16xi32>], vector<16xi32>, vector<16xi1>
      tpu.vector_store_idx %arg9[%broadcast_in_dim3A_275], %broadcast_in_dim3A_6 masked %eq3A_284 : memref<8208xi32, #tpu.memory_space<vmem>>[vector<16xi32>], vector<16xi32>, vector<16xi1>
    }
    %scan3A_26 = arith.constant 100 : i32
    %dma_start3A = arith.constant 0 : i32
    %dma_start3A_27 = arith.constant 0 : i32
    %dma_start3A_28 = tpu.memref_slice %arg4[%dma_start3A, %dma_start3A_27] : memref<262144x128xf32, #tpu.memory_space<hbm>> -> memref<262144x128xf32, #tpu.memory_space<hbm>>
    tpu.enqueue_indirect_dma source(%dma_start3A_28 : memref<262144x128xf32, #tpu.memory_space<hbm>>) target(%arg14 : memref<104x128xf32, #tpu.memory_space<vmem>>) offsets(%arg11 : memref<104xi32, #tpu.memory_space<vmem>>) semaphore(%arg15 : memref<!tpu.dma_semaphore, #tpu.memory_space<semaphore_mem>>)
    %dma_wait3A = arith.constant 0 : i32
    %dma_wait3A_29 = arith.constant 0 : i32
    %dma_wait3A_30 = tpu.memref_slice %arg4[%dma_wait3A, %dma_wait3A_29] : memref<262144x128xf32, #tpu.memory_space<hbm>> -> memref<262144x128xf32, #tpu.memory_space<hbm>>
    tpu.wait_indirect_dma semaphore(%arg15 : memref<!tpu.dma_semaphore, #tpu.memory_space<semaphore_mem>>) src(%dma_wait3A_30 : memref<262144x128xf32, #tpu.memory_space<hbm>>) dst(%arg14 : memref<104x128xf32, #tpu.memory_space<vmem>>)
    %broadcast_in_dim3A_31 = arith.constant -1.000000e+30 : f32
    %broadcast_in_dim3A_32 = vector.broadcast %broadcast_in_dim3A_31 : f32 to vector<16xf32>
    %get3A_33 = arith.constant 0 : index
    %get3A_34 = tpu.vector_load %arg12[%get3A_33] {strides = array<i32>} : memref<112xf32, #tpu.memory_space<vmem>>, vector<16xf32>,
    %add3A_35 = arith.constant 0 : i32
    %add3A_36 = vector.broadcast %add3A_35 : i32 to vector<16xi32>
    %add3A_37 = arith.addi %iota3A, %add3A_36 : vector<16xi32>
    %lt3A = arith.constant 100 : i32
    %lt3A_38 = vector.broadcast %lt3A : i32 to vector<16xi32>
    %lt3A_39 = arith.cmpi slt, %add3A_37, %lt3A_38 : vector<16xi32>
    %select_n3A = arith.select %lt3A_39, %get3A_34, %broadcast_in_dim3A_32 : vector<16xi1>, vector<16xf32>
    %max3A = arith.maximumf %broadcast_in_dim3A_32, %select_n3A : vector<16xf32>
    %get3A_40 = arith.constant 16 : index
    %get3A_41 = tpu.vector_load %arg12[%get3A_40] {strides = array<i32>} : memref<112xf32, #tpu.memory_space<vmem>>, vector<16xf32>,
    %add3A_42 = arith.constant 16 : i32
    %add3A_43 = vector.broadcast %add3A_42 : i32 to vector<16xi32>
    %add3A_44 = arith.addi %iota3A, %add3A_43 : vector<16xi32>
    %lt3A_45 = arith.constant 100 : i32
    %lt3A_46 = vector.broadcast %lt3A_45 : i32 to vector<16xi32>
    %lt3A_47 = arith.cmpi slt, %add3A_44, %lt3A_46 : vector<16xi32>
    %select_n3A_48 = arith.select %lt3A_47, %get3A_41, %broadcast_in_dim3A_32 : vector<16xi1>, vector<16xf32>
    %max3A_49 = arith.maximumf %max3A, %select_n3A_48 : vector<16xf32>
    %get3A_50 = arith.constant 32 : index
    %get3A_51 = tpu.vector_load %arg12[%get3A_50] {strides = array<i32>} : memref<112xf32, #tpu.memory_space<vmem>>, vector<16xf32>,
    %add3A_52 = arith.constant 32 : i32
    %add3A_53 = vector.broadcast %add3A_52 : i32 to vector<16xi32>
    %add3A_54 = arith.addi %iota3A, %add3A_53 : vector<16xi32>
    %lt3A_55 = arith.constant 100 : i32
    %lt3A_56 = vector.broadcast %lt3A_55 : i32 to vector<16xi32>
    %lt3A_57 = arith.cmpi slt, %add3A_54, %lt3A_56 : vector<16xi32>
    %select_n3A_58 = arith.select %lt3A_57, %get3A_51, %broadcast_in_dim3A_32 : vector<16xi1>, vector<16xf32>
    %max3A_59 = arith.maximumf %max3A_49, %select_n3A_58 : vector<16xf32>
    %get3A_60 = arith.constant 48 : index
    %get3A_61 = tpu.vector_load %arg12[%get3A_60] {strides = array<i32>} : memref<112xf32, #tpu.memory_space<vmem>>, vector<16xf32>,
    %add3A_62 = arith.constant 48 : i32
    %add3A_63 = vector.broadcast %add3A_62 : i32 to vector<16xi32>
    %add3A_64 = arith.addi %iota3A, %add3A_63 : vector<16xi32>
    %lt3A_65 = arith.constant 100 : i32
    %lt3A_66 = vector.broadcast %lt3A_65 : i32 to vector<16xi32>
    %lt3A_67 = arith.cmpi slt, %add3A_64, %lt3A_66 : vector<16xi32>
    %select_n3A_68 = arith.select %lt3A_67, %get3A_61, %broadcast_in_dim3A_32 : vector<16xi1>, vector<16xf32>
    %max3A_69 = arith.maximumf %max3A_59, %select_n3A_68 : vector<16xf32>
    %get3A_70 = arith.constant 64 : index
    %get3A_71 = tpu.vector_load %arg12[%get3A_70] {strides = array<i32>} : memref<112xf32, #tpu.memory_space<vmem>>, vector<16xf32>,
    %add3A_72 = arith.constant 64 : i32
    %add3A_73 = vector.broadcast %add3A_72 : i32 to vector<16xi32>
    %add3A_74 = arith.addi %iota3A, %add3A_73 : vector<16xi32>
    %lt3A_75 = arith.constant 100 : i32
    %lt3A_76 = vector.broadcast %lt3A_75 : i32 to vector<16xi32>
    %lt3A_77 = arith.cmpi slt, %add3A_74, %lt3A_76 : vector<16xi32>
    %select_n3A_78 = arith.select %lt3A_77, %get3A_71, %broadcast_in_dim3A_32 : vector<16xi1>, vector<16xf32>
    %max3A_79 = arith.maximumf %max3A_69, %select_n3A_78 : vector<16xf32>
    %get3A_80 = arith.constant 80 : index
    %get3A_81 = tpu.vector_load %arg12[%get3A_80] {strides = array<i32>} : memref<112xf32, #tpu.memory_space<vmem>>, vector<16xf32>,
    %add3A_82 = arith.constant 80 : i32
    %add3A_83 = vector.broadcast %add3A_82 : i32 to vector<16xi32>
    %add3A_84 = arith.addi %iota3A, %add3A_83 : vector<16xi32>
    %lt3A_85 = arith.constant 100 : i32
    %lt3A_86 = vector.broadcast %lt3A_85 : i32 to vector<16xi32>
    %lt3A_87 = arith.cmpi slt, %add3A_84, %lt3A_86 : vector<16xi32>
    %select_n3A_88 = arith.select %lt3A_87, %get3A_81, %broadcast_in_dim3A_32 : vector<16xi1>, vector<16xf32>
    %max3A_89 = arith.maximumf %max3A_79, %select_n3A_88 : vector<16xf32>
    %get3A_90 = arith.constant 96 : index
    %get3A_91 = tpu.vector_load %arg12[%get3A_90] {strides = array<i32>} : memref<112xf32, #tpu.memory_space<vmem>>, vector<16xf32>,
    %add3A_92 = arith.constant 96 : i32
    %add3A_93 = vector.broadcast %add3A_92 : i32 to vector<16xi32>
    %add3A_94 = arith.addi %iota3A, %add3A_93 : vector<16xi32>
    %lt3A_95 = arith.constant 100 : i32
    %lt3A_96 = vector.broadcast %lt3A_95 : i32 to vector<16xi32>
    %lt3A_97 = arith.cmpi slt, %add3A_94, %lt3A_96 : vector<16xi32>
    %select_n3A_98 = arith.select %lt3A_97, %get3A_91, %broadcast_in_dim3A_32 : vector<16xi1>, vector<16xf32>
    %max3A_99 = arith.maximumf %max3A_89, %select_n3A_98 : vector<16xf32>
    %reduce_max3A = arith.constant true
    %reduce_max3A_100 = vector.broadcast %reduce_max3A : i1 to vector<16xi1>
    %reduce_max3A_101 = tpu.scan <max>, %max3A_99 masked %reduce_max3A_100 : vector<16xf32>, vector<16xi1> -> vector<16xf32>
    %reduce_max3A_102 = vector.extract %reduce_max3A_101[15] : f32 from vector<16xf32>
    %broadcast_in_dim3A_103 = vector.broadcast %reduce_max3A_102 : f32 to vector<16xf32>
    %broadcast_in_dim3A_104 = arith.constant 0.000000e+00 : f32
    %broadcast_in_dim3A_105 = vector.broadcast %broadcast_in_dim3A_104 : f32 to vector<16xf32>
    %get3A_106 = arith.constant 0 : index
    %get3A_107 = tpu.vector_load %arg12[%get3A_106] {strides = array<i32>} : memref<112xf32, #tpu.memory_space<vmem>>, vector<16xf32>,
    %add3A_108 = arith.constant 0 : i32
    %add3A_109 = vector.broadcast %add3A_108 : i32 to vector<16xi32>
    %add3A_110 = arith.addi %iota3A, %add3A_109 : vector<16xi32>
    %lt3A_111 = arith.constant 100 : i32
    %lt3A_112 = vector.broadcast %lt3A_111 : i32 to vector<16xi32>
    %lt3A_113 = arith.cmpi slt, %add3A_110, %lt3A_112 : vector<16xi32>
    %select_n3A_114 = arith.select %lt3A_113, %get3A_107, %broadcast_in_dim3A_32 : vector<16xi1>, vector<16xf32>
    %sub3A = arith.subf %select_n3A_114, %broadcast_in_dim3A_103 : vector<16xf32>
    %exp3A = math.exp %sub3A : vector<16xf32>
    %swap3A_115 = arith.constant 0 : index
    %swap3A_116 = tpu.vector_load %arg13[%swap3A_115] {strides = array<i32>} : memref<112xf32, #tpu.memory_space<vmem>>, vector<16xf32>,
    tpu.vector_store %arg13[%swap3A_115], %exp3A {strides = array<i32>} : memref<112xf32, #tpu.memory_space<vmem>>, vector<16xf32>,
    %add3A_117 = arith.addf %broadcast_in_dim3A_105, %exp3A : vector<16xf32>
    %get3A_118 = arith.constant 16 : index
    %get3A_119 = tpu.vector_load %arg12[%get3A_118] {strides = array<i32>} : memref<112xf32, #tpu.memory_space<vmem>>, vector<16xf32>,
    %add3A_120 = arith.constant 16 : i32
    %add3A_121 = vector.broadcast %add3A_120 : i32 to vector<16xi32>
    %add3A_122 = arith.addi %iota3A, %add3A_121 : vector<16xi32>
    %lt3A_123 = arith.constant 100 : i32
    %lt3A_124 = vector.broadcast %lt3A_123 : i32 to vector<16xi32>
    %lt3A_125 = arith.cmpi slt, %add3A_122, %lt3A_124 : vector<16xi32>
    %select_n3A_126 = arith.select %lt3A_125, %get3A_119, %broadcast_in_dim3A_32 : vector<16xi1>, vector<16xf32>
    %sub3A_127 = arith.subf %select_n3A_126, %broadcast_in_dim3A_103 : vector<16xf32>
    %exp3A_128 = math.exp %sub3A_127 : vector<16xf32>
    %swap3A_129 = arith.constant 16 : index
    %swap3A_130 = tpu.vector_load %arg13[%swap3A_129] {strides = array<i32>} : memref<112xf32, #tpu.memory_space<vmem>>, vector<16xf32>,
    tpu.vector_store %arg13[%swap3A_129], %exp3A_128 {strides = array<i32>} : memref<112xf32, #tpu.memory_space<vmem>>, vector<16xf32>,
    %add3A_131 = arith.addf %add3A_117, %exp3A_128 : vector<16xf32>
    %get3A_132 = arith.constant 32 : index
    %get3A_133 = tpu.vector_load %arg12[%get3A_132] {strides = array<i32>} : memref<112xf32, #tpu.memory_space<vmem>>, vector<16xf32>,
    %add3A_134 = arith.constant 32 : i32
    %add3A_135 = vector.broadcast %add3A_134 : i32 to vector<16xi32>
    %add3A_136 = arith.addi %iota3A, %add3A_135 : vector<16xi32>
    %lt3A_137 = arith.constant 100 : i32
    %lt3A_138 = vector.broadcast %lt3A_137 : i32 to vector<16xi32>
    %lt3A_139 = arith.cmpi slt, %add3A_136, %lt3A_138 : vector<16xi32>
    %select_n3A_140 = arith.select %lt3A_139, %get3A_133, %broadcast_in_dim3A_32 : vector<16xi1>, vector<16xf32>
    %sub3A_141 = arith.subf %select_n3A_140, %broadcast_in_dim3A_103 : vector<16xf32>
    %exp3A_142 = math.exp %sub3A_141 : vector<16xf32>
    %swap3A_143 = arith.constant 32 : index
    %swap3A_144 = tpu.vector_load %arg13[%swap3A_143] {strides = array<i32>} : memref<112xf32, #tpu.memory_space<vmem>>, vector<16xf32>,
    tpu.vector_store %arg13[%swap3A_143], %exp3A_142 {strides = array<i32>} : memref<112xf32, #tpu.memory_space<vmem>>, vector<16xf32>,
    %add3A_145 = arith.addf %add3A_131, %exp3A_142 : vector<16xf32>
    %get3A_146 = arith.constant 48 : index
    %get3A_147 = tpu.vector_load %arg12[%get3A_146] {strides = array<i32>} : memref<112xf32, #tpu.memory_space<vmem>>, vector<16xf32>,
    %add3A_148 = arith.constant 48 : i32
    %add3A_149 = vector.broadcast %add3A_148 : i32 to vector<16xi32>
    %add3A_150 = arith.addi %iota3A, %add3A_149 : vector<16xi32>
    %lt3A_151 = arith.constant 100 : i32
    %lt3A_152 = vector.broadcast %lt3A_151 : i32 to vector<16xi32>
    %lt3A_153 = arith.cmpi slt, %add3A_150, %lt3A_152 : vector<16xi32>
    %select_n3A_154 = arith.select %lt3A_153, %get3A_147, %broadcast_in_dim3A_32 : vector<16xi1>, vector<16xf32>
    %sub3A_155 = arith.subf %select_n3A_154, %broadcast_in_dim3A_103 : vector<16xf32>
    %exp3A_156 = math.exp %sub3A_155 : vector<16xf32>
    %swap3A_157 = arith.constant 48 : index
    %swap3A_158 = tpu.vector_load %arg13[%swap3A_157] {strides = array<i32>} : memref<112xf32, #tpu.memory_space<vmem>>, vector<16xf32>,
    tpu.vector_store %arg13[%swap3A_157], %exp3A_156 {strides = array<i32>} : memref<112xf32, #tpu.memory_space<vmem>>, vector<16xf32>,
    %add3A_159 = arith.addf %add3A_145, %exp3A_156 : vector<16xf32>
    %get3A_160 = arith.constant 64 : index
    %get3A_161 = tpu.vector_load %arg12[%get3A_160] {strides = array<i32>} : memref<112xf32, #tpu.memory_space<vmem>>, vector<16xf32>,
    %add3A_162 = arith.constant 64 : i32
    %add3A_163 = vector.broadcast %add3A_162 : i32 to vector<16xi32>
    %add3A_164 = arith.addi %iota3A, %add3A_163 : vector<16xi32>
    %lt3A_165 = arith.constant 100 : i32
    %lt3A_166 = vector.broadcast %lt3A_165 : i32 to vector<16xi32>
    %lt3A_167 = arith.cmpi slt, %add3A_164, %lt3A_166 : vector<16xi32>
    %select_n3A_168 = arith.select %lt3A_167, %get3A_161, %broadcast_in_dim3A_32 : vector<16xi1>, vector<16xf32>
    %sub3A_169 = arith.subf %select_n3A_168, %broadcast_in_dim3A_103 : vector<16xf32>
    %exp3A_170 = math.exp %sub3A_169 : vector<16xf32>
    %swap3A_171 = arith.constant 64 : index
    %swap3A_172 = tpu.vector_load %arg13[%swap3A_171] {strides = array<i32>} : memref<112xf32, #tpu.memory_space<vmem>>, vector<16xf32>,
    tpu.vector_store %arg13[%swap3A_171], %exp3A_170 {strides = array<i32>} : memref<112xf32, #tpu.memory_space<vmem>>, vector<16xf32>,
    %add3A_173 = arith.addf %add3A_159, %exp3A_170 : vector<16xf32>
    %get3A_174 = arith.constant 80 : index
    %get3A_175 = tpu.vector_load %arg12[%get3A_174] {strides = array<i32>} : memref<112xf32, #tpu.memory_space<vmem>>, vector<16xf32>,
    %add3A_176 = arith.constant 80 : i32
    %add3A_177 = vector.broadcast %add3A_176 : i32 to vector<16xi32>
    %add3A_178 = arith.addi %iota3A, %add3A_177 : vector<16xi32>
    %lt3A_179 = arith.constant 100 : i32
    %lt3A_180 = vector.broadcast %lt3A_179 : i32 to vector<16xi32>
    %lt3A_181 = arith.cmpi slt, %add3A_178, %lt3A_180 : vector<16xi32>
    %select_n3A_182 = arith.select %lt3A_181, %get3A_175, %broadcast_in_dim3A_32 : vector<16xi1>, vector<16xf32>
    %sub3A_183 = arith.subf %select_n3A_182, %broadcast_in_dim3A_103 : vector<16xf32>
    %exp3A_184 = math.exp %sub3A_183 : vector<16xf32>
    %swap3A_185 = arith.constant 80 : index
    %swap3A_186 = tpu.vector_load %arg13[%swap3A_185] {strides = array<i32>} : memref<112xf32, #tpu.memory_space<vmem>>, vector<16xf32>,
    tpu.vector_store %arg13[%swap3A_185], %exp3A_184 {strides = array<i32>} : memref<112xf32, #tpu.memory_space<vmem>>, vector<16xf32>,
    %add3A_187 = arith.addf %add3A_173, %exp3A_184 : vector<16xf32>
    %get3A_188 = arith.constant 96 : index
    %get3A_189 = tpu.vector_load %arg12[%get3A_188] {strides = array<i32>} : memref<112xf32, #tpu.memory_space<vmem>>, vector<16xf32>,
    %add3A_190 = arith.constant 96 : i32
    %add3A_191 = vector.broadcast %add3A_190 : i32 to vector<16xi32>
    %add3A_192 = arith.addi %iota3A, %add3A_191 : vector<16xi32>
    %lt3A_193 = arith.constant 100 : i32
    %lt3A_194 = vector.broadcast %lt3A_193 : i32 to vector<16xi32>
    %lt3A_195 = arith.cmpi slt, %add3A_192, %lt3A_194 : vector<16xi32>
    %select_n3A_196 = arith.select %lt3A_195, %get3A_189, %broadcast_in_dim3A_32 : vector<16xi1>, vector<16xf32>
    %sub3A_197 = arith.subf %select_n3A_196, %broadcast_in_dim3A_103 : vector<16xf32>
    %exp3A_198 = math.exp %sub3A_197 : vector<16xf32>
    %swap3A_199 = arith.constant 96 : index
    %swap3A_200 = tpu.vector_load %arg13[%swap3A_199] {strides = array<i32>} : memref<112xf32, #tpu.memory_space<vmem>>, vector<16xf32>,
    tpu.vector_store %arg13[%swap3A_199], %exp3A_198 {strides = array<i32>} : memref<112xf32, #tpu.memory_space<vmem>>, vector<16xf32>,
    %add3A_201 = arith.addf %add3A_187, %exp3A_198 : vector<16xf32>
    %reduce_sum3A = arith.constant true
    %reduce_sum3A_202 = vector.broadcast %reduce_sum3A : i1 to vector<16xi1>
    %reduce_sum3A_203 = tpu.scan <sum>, %add3A_201 masked %reduce_sum3A_202 : vector<16xf32>, vector<16xi1> -> vector<16xf32>
    %reduce_sum3A_204 = vector.extract %reduce_sum3A_203[15] : f32 from vector<16xf32>
    %broadcast_in_dim3A_205 = vector.broadcast %reduce_sum3A_204 : f32 to vector<16xf32>
    %get3A_206 = arith.constant 0 : index
    %get3A_207 = tpu.vector_load %arg13[%get3A_206] {strides = array<i32>} : memref<112xf32, #tpu.memory_space<vmem>>, vector<16xf32>,
    %div3A_208 = arith.divf %get3A_207, %broadcast_in_dim3A_205 : vector<16xf32>
    %swap3A_209 = arith.constant 0 : index
    %swap3A_210 = tpu.vector_load %arg13[%swap3A_209] {strides = array<i32>} : memref<112xf32, #tpu.memory_space<vmem>>, vector<16xf32>,
    tpu.vector_store %arg13[%swap3A_209], %div3A_208 {strides = array<i32>} : memref<112xf32, #tpu.memory_space<vmem>>, vector<16xf32>,
    %get3A_211 = arith.constant 16 : index
    %get3A_212 = tpu.vector_load %arg13[%get3A_211] {strides = array<i32>} : memref<112xf32, #tpu.memory_space<vmem>>, vector<16xf32>,
    %div3A_213 = arith.divf %get3A_212, %broadcast_in_dim3A_205 : vector<16xf32>
    %swap3A_214 = arith.constant 16 : index
    %swap3A_215 = tpu.vector_load %arg13[%swap3A_214] {strides = array<i32>} : memref<112xf32, #tpu.memory_space<vmem>>, vector<16xf32>,
    tpu.vector_store %arg13[%swap3A_214], %div3A_213 {strides = array<i32>} : memref<112xf32, #tpu.memory_space<vmem>>, vector<16xf32>,
    %get3A_216 = arith.constant 32 : index
    %get3A_217 = tpu.vector_load %arg13[%get3A_216] {strides = array<i32>} : memref<112xf32, #tpu.memory_space<vmem>>, vector<16xf32>,
    %div3A_218 = arith.divf %get3A_217, %broadcast_in_dim3A_205 : vector<16xf32>
    %swap3A_219 = arith.constant 32 : index
    %swap3A_220 = tpu.vector_load %arg13[%swap3A_219] {strides = array<i32>} : memref<112xf32, #tpu.memory_space<vmem>>, vector<16xf32>,
    tpu.vector_store %arg13[%swap3A_219], %div3A_218 {strides = array<i32>} : memref<112xf32, #tpu.memory_space<vmem>>, vector<16xf32>,
    %get3A_221 = arith.constant 48 : index
    %get3A_222 = tpu.vector_load %arg13[%get3A_221] {strides = array<i32>} : memref<112xf32, #tpu.memory_space<vmem>>, vector<16xf32>,
    %div3A_223 = arith.divf %get3A_222, %broadcast_in_dim3A_205 : vector<16xf32>
    %swap3A_224 = arith.constant 48 : index
    %swap3A_225 = tpu.vector_load %arg13[%swap3A_224] {strides = array<i32>} : memref<112xf32, #tpu.memory_space<vmem>>, vector<16xf32>,
    tpu.vector_store %arg13[%swap3A_224], %div3A_223 {strides = array<i32>} : memref<112xf32, #tpu.memory_space<vmem>>, vector<16xf32>,
    %get3A_226 = arith.constant 64 : index
    %get3A_227 = tpu.vector_load %arg13[%get3A_226] {strides = array<i32>} : memref<112xf32, #tpu.memory_space<vmem>>, vector<16xf32>,
    %div3A_228 = arith.divf %get3A_227, %broadcast_in_dim3A_205 : vector<16xf32>
    %swap3A_229 = arith.constant 64 : index
    %swap3A_230 = tpu.vector_load %arg13[%swap3A_229] {strides = array<i32>} : memref<112xf32, #tpu.memory_space<vmem>>, vector<16xf32>,
    tpu.vector_store %arg13[%swap3A_229], %div3A_228 {strides = array<i32>} : memref<112xf32, #tpu.memory_space<vmem>>, vector<16xf32>,
    %get3A_231 = arith.constant 80 : index
    %get3A_232 = tpu.vector_load %arg13[%get3A_231] {strides = array<i32>} : memref<112xf32, #tpu.memory_space<vmem>>, vector<16xf32>,
    %div3A_233 = arith.divf %get3A_232, %broadcast_in_dim3A_205 : vector<16xf32>
    %swap3A_234 = arith.constant 80 : index
    %swap3A_235 = tpu.vector_load %arg13[%swap3A_234] {strides = array<i32>} : memref<112xf32, #tpu.memory_space<vmem>>, vector<16xf32>,
    tpu.vector_store %arg13[%swap3A_234], %div3A_233 {strides = array<i32>} : memref<112xf32, #tpu.memory_space<vmem>>, vector<16xf32>,
    %get3A_236 = arith.constant 96 : index
    %get3A_237 = tpu.vector_load %arg13[%get3A_236] {strides = array<i32>} : memref<112xf32, #tpu.memory_space<vmem>>, vector<16xf32>,
    %div3A_238 = arith.divf %get3A_237, %broadcast_in_dim3A_205 : vector<16xf32>
    %swap3A_239 = arith.constant 96 : index
    %swap3A_240 = tpu.vector_load %arg13[%swap3A_239] {strides = array<i32>} : memref<112xf32, #tpu.memory_space<vmem>>, vector<16xf32>,
    tpu.vector_store %arg13[%swap3A_239], %div3A_238 {strides = array<i32>} : memref<112xf32, #tpu.memory_space<vmem>>, vector<16xf32>,
    "tpu.region"() ({
      %run_scoped3A = tpu.sem_alloc : memref<!tpu.dma_semaphore, #tpu.memory_space<semaphore_mem>>
      %dma_start3A_243 = arith.constant 0 : i32
      %dma_start3A_244 = arith.constant 0 : i32
      %dma_start3A_245 = tpu.memref_slice %arg5[%add3A, %dma_start3A_243, %dma_start3A_244] : memref<32x104x128xf32, #tpu.memory_space<hbm>> -> memref<1x104x128xf32, #tpu.memory_space<hbm>>
      %dma_start3A_246 = tpu.memref_squeeze %dma_start3A_245 : memref<1x104x128xf32, #tpu.memory_space<hbm>> -> memref<104x128xf32, #tpu.memory_space<hbm>>
      %dma_start3A_247 = arith.constant 0 : i32
      %dma_start3A_248 = arith.constant 0 : i32
      %dma_start3A_249 = tpu.memref_slice %arg5[%add3A, %dma_start3A_247, %dma_start3A_248] : memref<32x104x128xf32, #tpu.memory_space<hbm>> -> memref<1x104x128xf32, #tpu.memory_space<hbm>>
      %dma_start3A_250 = tpu.memref_squeeze %dma_start3A_249 : memref<1x104x128xf32, #tpu.memory_space<hbm>> -> memref<104x128xf32, #tpu.memory_space<hbm>>
      tpu.enqueue_dma source(%arg14 : memref<104x128xf32, #tpu.memory_space<vmem>>) target(%dma_start3A_250 : memref<104x128xf32, #tpu.memory_space<hbm>>) target_semaphore(%run_scoped3A : memref<!tpu.dma_semaphore, #tpu.memory_space<semaphore_mem>>)
      %dma_wait3A_251 = arith.constant 0 : i32
      %dma_wait3A_252 = arith.constant 0 : i32
      %dma_wait3A_253 = tpu.memref_slice %arg5[%add3A, %dma_wait3A_251, %dma_wait3A_252] : memref<32x104x128xf32, #tpu.memory_space<hbm>> -> memref<1x104x128xf32, #tpu.memory_space<hbm>>
      %dma_wait3A_254 = tpu.memref_squeeze %dma_wait3A_253 : memref<1x104x128xf32, #tpu.memory_space<hbm>> -> memref<104x128xf32, #tpu.memory_space<hbm>>
      %dma_wait3A_255 = arith.constant 0 : i32
      %dma_wait3A_256 = arith.constant 0 : i32
      %dma_wait3A_257 = tpu.memref_slice %arg5[%add3A, %dma_wait3A_255, %dma_wait3A_256] : memref<32x104x128xf32, #tpu.memory_space<hbm>> -> memref<1x104x128xf32, #tpu.memory_space<hbm>>
      %dma_wait3A_258 = tpu.memref_squeeze %dma_wait3A_257 : memref<1x104x128xf32, #tpu.memory_space<hbm>> -> memref<104x128xf32, #tpu.memory_space<hbm>>
      tpu.wait_dma2 semaphore(%run_scoped3A : memref<!tpu.dma_semaphore, #tpu.memory_space<semaphore_mem>>) src(%arg14 : memref<104x128xf32, #tpu.memory_space<vmem>>) dst(%dma_wait3A_258 : memref<104x128xf32, #tpu.memory_space<hbm>>)
      tpu.yield
    }) : () -> ()
    %mul3A_241 = arith.constant 112 : i32
    %mul3A_242 = arith.muli %add3A, %mul3A_241 : i32
    "tpu.region"() ({
      %run_scoped3A = tpu.sem_alloc : memref<!tpu.dma_semaphore, #tpu.memory_space<semaphore_mem>>
      %dma_start3A_243 = tpu.memref_slice %arg6[%mul3A_242] : memref<3584xf32, #tpu.memory_space<hbm>> -> memref<112xf32, #tpu.memory_space<hbm>>
      %dma_start3A_244 = tpu.memref_slice %arg6[%mul3A_242] : memref<3584xf32, #tpu.memory_space<hbm>> -> memref<112xf32, #tpu.memory_space<hbm>>
      tpu.enqueue_dma source(%arg13 : memref<112xf32, #tpu.memory_space<vmem>>) target(%dma_start3A_244 : memref<112xf32, #tpu.memory_space<hbm>>) target_semaphore(%run_scoped3A : memref<!tpu.dma_semaphore, #tpu.memory_space<semaphore_mem>>)
      %dma_wait3A_245 = tpu.memref_slice %arg6[%mul3A_242] : memref<3584xf32, #tpu.memory_space<hbm>> -> memref<112xf32, #tpu.memory_space<hbm>>
      %dma_wait3A_246 = tpu.memref_slice %arg6[%mul3A_242] : memref<3584xf32, #tpu.memory_space<hbm>> -> memref<112xf32, #tpu.memory_space<hbm>>
      tpu.wait_dma2 semaphore(%run_scoped3A : memref<!tpu.dma_semaphore, #tpu.memory_space<semaphore_mem>>) src(%arg13 : memref<112xf32, #tpu.memory_space<vmem>>) dst(%dma_wait3A_246 : memref<112xf32, #tpu.memory_space<hbm>>)
      tpu.yield
    }) : () -> ()
    return
  }
}

module attributes {stable_mosaic.version = 14 : i64} {
  func.func @_score_body(%arg0: i32, %arg1: memref<1x128xf32, #tpu.memory_space<vmem>>, %arg2: memref<8192x128xf32, #tpu.memory_space<vmem>>, %arg3: memref<1x8192xf32, #tpu.memory_space<vmem>>, %arg4: memref<8x1024xf32, #tpu.memory_space<vmem>>) attributes {dimension_semantics = [#tpu.dimension_semantics<arbitrary>], iteration_bounds = array<i64: 32>, scalar_prefetch = 0 : i64, scratch_operands = 0 : i64, tpu.core_type = #tpu.core_type<tc>, window_params = [{pipeline_mode = #tpu.pipeline_mode<synchronous>, transform_indices = @transform_0, window_bounds = array<i64: 1, 128>}, {transform_indices = @transform_1, window_bounds = array<i64: 8192, 128>}, {pipeline_mode = #tpu.pipeline_mode<synchronous>, transform_indices = @transform_2, window_bounds = array<i64: 1, 8192>}, {transform_indices = @transform_3, window_bounds = array<i64: 8, 1024>}]} {
    %get3A = arith.constant 0 : index
    %get3A_0 = arith.constant 0 : index
    %get3A_1 = vector.load %arg1[%get3A, %get3A_0] : memref<1x128xf32, #tpu.memory_space<vmem>>, vector<1x128xf32>
    %get3A_2 = arith.constant 0 : index
    %get3A_3 = arith.constant 0 : index
    %get3A_4 = vector.load %arg2[%get3A_2, %get3A_3] : memref<8192x128xf32, #tpu.memory_space<vmem>>, vector<1024x128xf32>
    %dot_general3A = arith.constant dense<0.000000e+00> : vector<1x1024xf32>
    %dot_general3A_5 = tpu.matmul %get3A_1, %get3A_4, %dot_general3A {dimension_numbers = #tpu.dot_dimension_numbers<[1], [1], [0], [0], [0, 0, 1, 0], [], []>, transpose_lhs_hint = false} : vector<1x128xf32>, vector<1024x128xf32>, vector<1x1024xf32> -> vector<1x1024xf32>
    %get3A_6 = arith.constant 0 : index
    %get3A_7 = arith.constant 0 : index
    %get3A_8 = vector.load %arg3[%get3A_6, %get3A_7] : memref<1x8192xf32, #tpu.memory_space<vmem>>, vector<1x1024xf32>
    %add3A = arith.addf %dot_general3A_5, %get3A_8 : vector<1x1024xf32>
    %tanh3A = math.tanh %add3A : vector<1x1024xf32>
    %swap3A = arith.constant 0 : index
    %swap3A_9 = arith.constant 0 : index
    %swap3A_10 = vector.load %arg4[%swap3A, %swap3A_9] : memref<8x1024xf32, #tpu.memory_space<vmem>>, vector<1x1024xf32>
    tpu.vector_store %arg4[%swap3A, %swap3A_9], %tanh3A {strides = array<i32>} : memref<8x1024xf32, #tpu.memory_space<vmem>>, vector<1x1024xf32>,
    %get3A_11 = arith.constant 0 : index
    %get3A_12 = arith.constant 0 : index
    %get3A_13 = vector.load %arg1[%get3A_11, %get3A_12] : memref<1x128xf32, #tpu.memory_space<vmem>>, vector<1x128xf32>
    %get3A_14 = arith.constant 1024 : index
    %get3A_15 = arith.constant 0 : index
    %get3A_16 = vector.load %arg2[%get3A_14, %get3A_15] : memref<8192x128xf32, #tpu.memory_space<vmem>>, vector<1024x128xf32>
    %dot_general3A_17 = arith.constant dense<0.000000e+00> : vector<1x1024xf32>
    %dot_general3A_18 = tpu.matmul %get3A_13, %get3A_16, %dot_general3A_17 {dimension_numbers = #tpu.dot_dimension_numbers<[1], [1], [0], [0], [0, 0, 1, 0], [], []>, transpose_lhs_hint = false} : vector<1x128xf32>, vector<1024x128xf32>, vector<1x1024xf32> -> vector<1x1024xf32>
    %get3A_19 = arith.constant 0 : index
    %get3A_20 = arith.constant 1024 : index
    %get3A_21 = vector.load %arg3[%get3A_19, %get3A_20] : memref<1x8192xf32, #tpu.memory_space<vmem>>, vector<1x1024xf32>
    %add3A_22 = arith.addf %dot_general3A_18, %get3A_21 : vector<1x1024xf32>
    %tanh3A_23 = math.tanh %add3A_22 : vector<1x1024xf32>
    %swap3A_24 = arith.constant 1 : index
    %swap3A_25 = arith.constant 0 : index
    %swap3A_26 = vector.load %arg4[%swap3A_24, %swap3A_25] : memref<8x1024xf32, #tpu.memory_space<vmem>>, vector<1x1024xf32>
    tpu.vector_store %arg4[%swap3A_24, %swap3A_25], %tanh3A_23 {strides = array<i32>} : memref<8x1024xf32, #tpu.memory_space<vmem>>, vector<1x1024xf32>,
    %get3A_27 = arith.constant 0 : index
    %get3A_28 = arith.constant 0 : index
    %get3A_29 = vector.load %arg1[%get3A_27, %get3A_28] : memref<1x128xf32, #tpu.memory_space<vmem>>, vector<1x128xf32>
    %get3A_30 = arith.constant 2048 : index
    %get3A_31 = arith.constant 0 : index
    %get3A_32 = vector.load %arg2[%get3A_30, %get3A_31] : memref<8192x128xf32, #tpu.memory_space<vmem>>, vector<1024x128xf32>
    %dot_general3A_33 = arith.constant dense<0.000000e+00> : vector<1x1024xf32>
    %dot_general3A_34 = tpu.matmul %get3A_29, %get3A_32, %dot_general3A_33 {dimension_numbers = #tpu.dot_dimension_numbers<[1], [1], [0], [0], [0, 0, 1, 0], [], []>, transpose_lhs_hint = false} : vector<1x128xf32>, vector<1024x128xf32>, vector<1x1024xf32> -> vector<1x1024xf32>
    %get3A_35 = arith.constant 0 : index
    %get3A_36 = arith.constant 2048 : index
    %get3A_37 = vector.load %arg3[%get3A_35, %get3A_36] : memref<1x8192xf32, #tpu.memory_space<vmem>>, vector<1x1024xf32>
    %add3A_38 = arith.addf %dot_general3A_34, %get3A_37 : vector<1x1024xf32>
    %tanh3A_39 = math.tanh %add3A_38 : vector<1x1024xf32>
    %swap3A_40 = arith.constant 2 : index
    %swap3A_41 = arith.constant 0 : index
    %swap3A_42 = vector.load %arg4[%swap3A_40, %swap3A_41] : memref<8x1024xf32, #tpu.memory_space<vmem>>, vector<1x1024xf32>
    tpu.vector_store %arg4[%swap3A_40, %swap3A_41], %tanh3A_39 {strides = array<i32>} : memref<8x1024xf32, #tpu.memory_space<vmem>>, vector<1x1024xf32>,
    %get3A_43 = arith.constant 0 : index
    %get3A_44 = arith.constant 0 : index
    %get3A_45 = vector.load %arg1[%get3A_43, %get3A_44] : memref<1x128xf32, #tpu.memory_space<vmem>>, vector<1x128xf32>
    %get3A_46 = arith.constant 3072 : index
    %get3A_47 = arith.constant 0 : index
    %get3A_48 = vector.load %arg2[%get3A_46, %get3A_47] : memref<8192x128xf32, #tpu.memory_space<vmem>>, vector<1024x128xf32>
    %dot_general3A_49 = arith.constant dense<0.000000e+00> : vector<1x1024xf32>
    %dot_general3A_50 = tpu.matmul %get3A_45, %get3A_48, %dot_general3A_49 {dimension_numbers = #tpu.dot_dimension_numbers<[1], [1], [0], [0], [0, 0, 1, 0], [], []>, transpose_lhs_hint = false} : vector<1x128xf32>, vector<1024x128xf32>, vector<1x1024xf32> -> vector<1x1024xf32>
    %get3A_51 = arith.constant 0 : index
    %get3A_52 = arith.constant 3072 : index
    %get3A_53 = vector.load %arg3[%get3A_51, %get3A_52] : memref<1x8192xf32, #tpu.memory_space<vmem>>, vector<1x1024xf32>
    %add3A_54 = arith.addf %dot_general3A_50, %get3A_53 : vector<1x1024xf32>
    %tanh3A_55 = math.tanh %add3A_54 : vector<1x1024xf32>
    %swap3A_56 = arith.constant 3 : index
    %swap3A_57 = arith.constant 0 : index
    %swap3A_58 = vector.load %arg4[%swap3A_56, %swap3A_57] : memref<8x1024xf32, #tpu.memory_space<vmem>>, vector<1x1024xf32>
    tpu.vector_store %arg4[%swap3A_56, %swap3A_57], %tanh3A_55 {strides = array<i32>} : memref<8x1024xf32, #tpu.memory_space<vmem>>, vector<1x1024xf32>,
    %get3A_59 = arith.constant 0 : index
    %get3A_60 = arith.constant 0 : index
    %get3A_61 = vector.load %arg1[%get3A_59, %get3A_60] : memref<1x128xf32, #tpu.memory_space<vmem>>, vector<1x128xf32>
    %get3A_62 = arith.constant 4096 : index
    %get3A_63 = arith.constant 0 : index
    %get3A_64 = vector.load %arg2[%get3A_62, %get3A_63] : memref<8192x128xf32, #tpu.memory_space<vmem>>, vector<1024x128xf32>
    %dot_general3A_65 = arith.constant dense<0.000000e+00> : vector<1x1024xf32>
    %dot_general3A_66 = tpu.matmul %get3A_61, %get3A_64, %dot_general3A_65 {dimension_numbers = #tpu.dot_dimension_numbers<[1], [1], [0], [0], [0, 0, 1, 0], [], []>, transpose_lhs_hint = false} : vector<1x128xf32>, vector<1024x128xf32>, vector<1x1024xf32> -> vector<1x1024xf32>
    %get3A_67 = arith.constant 0 : index
    %get3A_68 = arith.constant 4096 : index
    %get3A_69 = vector.load %arg3[%get3A_67, %get3A_68] : memref<1x8192xf32, #tpu.memory_space<vmem>>, vector<1x1024xf32>
    %add3A_70 = arith.addf %dot_general3A_66, %get3A_69 : vector<1x1024xf32>
    %tanh3A_71 = math.tanh %add3A_70 : vector<1x1024xf32>
    %swap3A_72 = arith.constant 4 : index
    %swap3A_73 = arith.constant 0 : index
    %swap3A_74 = vector.load %arg4[%swap3A_72, %swap3A_73] : memref<8x1024xf32, #tpu.memory_space<vmem>>, vector<1x1024xf32>
    tpu.vector_store %arg4[%swap3A_72, %swap3A_73], %tanh3A_71 {strides = array<i32>} : memref<8x1024xf32, #tpu.memory_space<vmem>>, vector<1x1024xf32>,
    %get3A_75 = arith.constant 0 : index
    %get3A_76 = arith.constant 0 : index
    %get3A_77 = vector.load %arg1[%get3A_75, %get3A_76] : memref<1x128xf32, #tpu.memory_space<vmem>>, vector<1x128xf32>
    %get3A_78 = arith.constant 5120 : index
    %get3A_79 = arith.constant 0 : index
    %get3A_80 = vector.load %arg2[%get3A_78, %get3A_79] : memref<8192x128xf32, #tpu.memory_space<vmem>>, vector<1024x128xf32>
    %dot_general3A_81 = arith.constant dense<0.000000e+00> : vector<1x1024xf32>
    %dot_general3A_82 = tpu.matmul %get3A_77, %get3A_80, %dot_general3A_81 {dimension_numbers = #tpu.dot_dimension_numbers<[1], [1], [0], [0], [0, 0, 1, 0], [], []>, transpose_lhs_hint = false} : vector<1x128xf32>, vector<1024x128xf32>, vector<1x1024xf32> -> vector<1x1024xf32>
    %get3A_83 = arith.constant 0 : index
    %get3A_84 = arith.constant 5120 : index
    %get3A_85 = vector.load %arg3[%get3A_83, %get3A_84] : memref<1x8192xf32, #tpu.memory_space<vmem>>, vector<1x1024xf32>
    %add3A_86 = arith.addf %dot_general3A_82, %get3A_85 : vector<1x1024xf32>
    %tanh3A_87 = math.tanh %add3A_86 : vector<1x1024xf32>
    %swap3A_88 = arith.constant 5 : index
    %swap3A_89 = arith.constant 0 : index
    %swap3A_90 = vector.load %arg4[%swap3A_88, %swap3A_89] : memref<8x1024xf32, #tpu.memory_space<vmem>>, vector<1x1024xf32>
    tpu.vector_store %arg4[%swap3A_88, %swap3A_89], %tanh3A_87 {strides = array<i32>} : memref<8x1024xf32, #tpu.memory_space<vmem>>, vector<1x1024xf32>,
    %get3A_91 = arith.constant 0 : index
    %get3A_92 = arith.constant 0 : index
    %get3A_93 = vector.load %arg1[%get3A_91, %get3A_92] : memref<1x128xf32, #tpu.memory_space<vmem>>, vector<1x128xf32>
    %get3A_94 = arith.constant 6144 : index
    %get3A_95 = arith.constant 0 : index
    %get3A_96 = vector.load %arg2[%get3A_94, %get3A_95] : memref<8192x128xf32, #tpu.memory_space<vmem>>, vector<1024x128xf32>
    %dot_general3A_97 = arith.constant dense<0.000000e+00> : vector<1x1024xf32>
    %dot_general3A_98 = tpu.matmul %get3A_93, %get3A_96, %dot_general3A_97 {dimension_numbers = #tpu.dot_dimension_numbers<[1], [1], [0], [0], [0, 0, 1, 0], [], []>, transpose_lhs_hint = false} : vector<1x128xf32>, vector<1024x128xf32>, vector<1x1024xf32> -> vector<1x1024xf32>
    %get3A_99 = arith.constant 0 : index
    %get3A_100 = arith.constant 6144 : index
    %get3A_101 = vector.load %arg3[%get3A_99, %get3A_100] : memref<1x8192xf32, #tpu.memory_space<vmem>>, vector<1x1024xf32>
    %add3A_102 = arith.addf %dot_general3A_98, %get3A_101 : vector<1x1024xf32>
    %tanh3A_103 = math.tanh %add3A_102 : vector<1x1024xf32>
    %swap3A_104 = arith.constant 6 : index
    %swap3A_105 = arith.constant 0 : index
    %swap3A_106 = vector.load %arg4[%swap3A_104, %swap3A_105] : memref<8x1024xf32, #tpu.memory_space<vmem>>, vector<1x1024xf32>
    tpu.vector_store %arg4[%swap3A_104, %swap3A_105], %tanh3A_103 {strides = array<i32>} : memref<8x1024xf32, #tpu.memory_space<vmem>>, vector<1x1024xf32>,
    %get3A_107 = arith.constant 0 : index
    %get3A_108 = arith.constant 0 : index
    %get3A_109 = vector.load %arg1[%get3A_107, %get3A_108] : memref<1x128xf32, #tpu.memory_space<vmem>>, vector<1x128xf32>
    %get3A_110 = arith.constant 7168 : index
    %get3A_111 = arith.constant 0 : index
    %get3A_112 = vector.load %arg2[%get3A_110, %get3A_111] : memref<8192x128xf32, #tpu.memory_space<vmem>>, vector<1024x128xf32>
    %dot_general3A_113 = arith.constant dense<0.000000e+00> : vector<1x1024xf32>
    %dot_general3A_114 = tpu.matmul %get3A_109, %get3A_112, %dot_general3A_113 {dimension_numbers = #tpu.dot_dimension_numbers<[1], [1], [0], [0], [0, 0, 1, 0], [], []>, transpose_lhs_hint = false} : vector<1x128xf32>, vector<1024x128xf32>, vector<1x1024xf32> -> vector<1x1024xf32>
    %get3A_115 = arith.constant 0 : index
    %get3A_116 = arith.constant 7168 : index
    %get3A_117 = vector.load %arg3[%get3A_115, %get3A_116] : memref<1x8192xf32, #tpu.memory_space<vmem>>, vector<1x1024xf32>
    %add3A_118 = arith.addf %dot_general3A_114, %get3A_117 : vector<1x1024xf32>
    %tanh3A_119 = math.tanh %add3A_118 : vector<1x1024xf32>
    %swap3A_120 = arith.constant 7 : index
    %swap3A_121 = arith.constant 0 : index
    %swap3A_122 = vector.load %arg4[%swap3A_120, %swap3A_121] : memref<8x1024xf32, #tpu.memory_space<vmem>>, vector<1x1024xf32>
    tpu.vector_store %arg4[%swap3A_120, %swap3A_121], %tanh3A_119 {strides = array<i32>} : memref<8x1024xf32, #tpu.memory_space<vmem>>, vector<1x1024xf32>,
    return
  }
  func.func @transform_0(%arg0: i32) -> (i32, i32) {
    %c0_i32 = arith.constant 0 : i32
    %c0_i32_0 = arith.constant 0 : i32
    %c0_i32_1 = arith.constant 0 : i32
    return %c0_i32, %c0_i32_0 : i32, i32
  }
  func.func @transform_1(%arg0: i32) -> (i32, i32) {
    %c0_i32 = arith.constant 0 : i32
    %c0_i32_0 = arith.constant 0 : i32
    return %arg0, %c0_i32 : i32, i32
  }
  func.func @transform_2(%arg0: i32) -> (i32, i32) {
    %c0_i32 = arith.constant 0 : i32
    %c0_i32_0 = arith.constant 0 : i32
    %c0_i32_1 = arith.constant 0 : i32
    return %c0_i32, %c0_i32_0 : i32, i32
  }
  func.func @transform_3(%arg0: i32) -> (i32, i32) {
    %c0_i32 = arith.constant 0 : i32
    %c0_i32_0 = arith.constant 0 : i32
    return %arg0, %c0_i32 : i32, i32
  }
}

module attributes {stable_mosaic.version = 14 : i64} {
  func.func @_thresh_body(%arg0: memref<32x8192xf32, #tpu.memory_space<vmem>>, %arg1: memref<32x16xi32, #tpu.memory_space<vmem>>) attributes {dimension_semantics = [], scalar_prefetch = 0 : i64, scratch_operands = 0 : i64, tpu.core_type = #tpu.core_type<tc>} {
    %get3A = arith.constant 0 : index
    %get3A_0 = arith.constant 0 : index
    %get3A_1 = vector.load %arg0[%get3A, %get3A_0] : memref<32x8192xf32, #tpu.memory_space<vmem>>, vector<32x8192xf32>
    %bitcast_convert_type3A = tpu.bitcast %get3A_1 : vector<32x8192xf32> -> vector<32x8192xi32>
    %ge3A = arith.constant 0 : i32
    %ge3A_2 = vector.broadcast %ge3A : i32 to vector<32x8192xi32>
    %ge3A_3 = arith.cmpi sge, %bitcast_convert_type3A, %ge3A_2 : vector<32x8192xi32>
    %xor3A = arith.constant 2147483647 : i32
    %xor3A_4 = vector.broadcast %xor3A : i32 to vector<32x8192xi32>
    %xor3A_5 = arith.xori %bitcast_convert_type3A, %xor3A_4 : vector<32x8192xi32>
    %select_n3A = arith.select %ge3A_3, %bitcast_convert_type3A, %xor3A_5 : vector<32x8192xi1>, vector<32x8192xi32>
    %broadcast_in_dim3A = arith.constant 0 : i32
    %broadcast_in_dim3A_6 = vector.broadcast %broadcast_in_dim3A : i32 to vector<32x1xi32>
    %scan3A = arith.constant 0 : i32
    %scan3A_7 = arith.constant 32 : i32
    %scan3A_8 = arith.addi %scan3A, %scan3A_7 : i32
    %scan3A_9 = arith.constant 1 : i32
    %scan3A_10 = scf.for %scan3A_19 = %scan3A to %scan3A_8 step %scan3A_9 iter_args(%scan3A_20 = %broadcast_in_dim3A_6) -> (vector<32x1xi32>)  : i32 {
      %sub3A = arith.constant 31 : i32
      %sub3A_21 = arith.subi %sub3A, %scan3A_19 : i32
      %shift_left3A = arith.constant 1 : i32
      %shift_left3A_22 = arith.shli %shift_left3A, %sub3A_21 : i32
      %or3A = vector.broadcast %shift_left3A_22 : i32 to vector<32x1xi32>
      %or3A_23 = arith.ori %scan3A_20, %or3A : vector<32x1xi32>
      %xor3A_24 = arith.constant -2147483648 : i32
      %xor3A_25 = vector.broadcast %xor3A_24 : i32 to vector<32x1xi32>
      %xor3A_26 = arith.xori %or3A_23, %xor3A_25 : vector<32x1xi32>
      %ge3A_27 = vector.broadcast %xor3A_26 : vector<32x1xi32> to vector<32x8192xi32>
      %ge3A_28 = arith.cmpi sge, %select_n3A, %ge3A_27 : vector<32x8192xi32>
      %convert_element_type3A = arith.extui %ge3A_28 : vector<32x8192xi1> to vector<32x8192xi32>
      %reduce_sum3A = arith.constant dense<0> : vector<32xi32>
      %reduce_sum3A_29 = vector.multi_reduction <add>, %convert_element_type3A, %reduce_sum3A [1] : vector<32x8192xi32> to vector<32xi32>
      %broadcast_in_dim3A_30 = vector.shape_cast %reduce_sum3A_29 : vector<32xi32> to vector<32x1xi32>
      %ge3A_31 = arith.constant 100 : i32
      %ge3A_32 = vector.broadcast %ge3A_31 : i32 to vector<32x1xi32>
      %ge3A_33 = arith.cmpi sge, %broadcast_in_dim3A_30, %ge3A_32 : vector<32x1xi32>
      %select_n3A_34 = arith.select %ge3A_33, %or3A_23, %scan3A_20 : vector<32x1xi1>, vector<32x1xi32>
      scf.yield %select_n3A_34 : vector<32x1xi32>
    }
    %scan3A_11 = arith.constant 32 : i32
    %xor3A_12 = arith.constant -2147483648 : i32
    %xor3A_13 = vector.broadcast %xor3A_12 : i32 to vector<32x1xi32>
    %xor3A_14 = arith.xori %scan3A_10, %xor3A_13 : vector<32x1xi32>
    %broadcast_in_dim3A_15 = vector.shape_cast %xor3A_14 : vector<32x1xi32> to vector<32x1xi32>
    %broadcast_in_dim3A_16 = vector.broadcast %broadcast_in_dim3A_15 : vector<32x1xi32> to vector<32x16xi32>
    %swap3A = arith.constant 0 : index
    %swap3A_17 = arith.constant 0 : index
    %swap3A_18 = vector.load %arg1[%swap3A, %swap3A_17] : memref<32x16xi32, #tpu.memory_space<vmem>>, vector<32x16xi32>
    tpu.vector_store %arg1[%swap3A, %swap3A_17], %broadcast_in_dim3A_16 {strides = array<i32>} : memref<32x16xi32, #tpu.memory_space<vmem>>, vector<32x16xi32>,
    return
  }
}

</mosaic_0001>

<sc_bundles>
// kernel: kernel.5.cloned.1.call-start
scs
__scs_entry_jumppad:
0x0: {  	(pc) =	sbr.rel $0x88, $3  }
0x1: {  	(tag) =	ssettag $0x0;
	lr =	simm.s32 $0x1  }
0x2: {  	[smem:$0x3F9E] =	sst lr;
	_ =	strace $0xD0000000  }
0x3: {  	_ = 	snop  }
0x4: {  	_ = 	snop  }
0x5: {  	_ = 	snop  }
0x6: {  	_ = 	snop  }
0x7: {  	_ = 	snop  }
__scs_overlays_trampoline_lowered:
0x8: {  	[smem:$0x3FAD] =	sst s0  }
0x9: {  	[smem:$0x3FAE] =	sst s1  }
0xa: {  	[smem:$0x3FAF] =	sst s2  }
0xb: {  	[smem:$0x3FB0] =	sst s3  }
0xc: {  	[smem:$0x3FB1] =	sst s4  }
0xd: {  	[smem:$0x3FB2] =	sst s5  }
0xe: {  	[smem:$0x3FB3] =	sst s6  }
0xf: {  	[smem:$0x3FB4] =	sst s7  }
0x10: {  	[smem:$0x3FB5] =	sst s8  }
0x11: {  	[smem:$0x3FB6] =	sst s9;
	s0 =	simm.s32 @!p0 $0x0  }
0x12: {  	s1 =	sld [smem:$0x3F9C];
	s0 =	simm.s32 @p0 $0x1  }
0x13: {  	[smem:$0x3FB7] =	sst s0;
	s0 =	simm.s32 @!p1 $0x0  }
0x14: {  	s2 =	sld [smem:$0x3F9B];
	s0 =	simm.s32 @p1 $0x1  }
0x15: {  	[smem:$0x3FB8] =	sst s0;
	s0 =	simm.s32 @!p2 $0x0  }
0x16: {  	s3 =	sld [smem:$0x3FDB];
	s0 =	simm.s32 @p2 $0x1  }
0x17: {  	s4 =	simm.s32 $0x1BF5;
	[smem:$0x3FBA] =	sst s0  }
0x18: {  	s0 =	sld [smem:$0x3F9D];
	_ =	swait.ge [sflag:s4], $0x0  }
0x19: {  	s7 =	sld [smem:$0x3F9E]  }
0x1a: {  	s8 =	sadd.s32 $0xFFFFE003, lr  }
0x1b: {  	s9 =	sadd.s32 $0xFFFFFEF7, lr;
	s5 =	simm.s32 $0xFFFFFFFF;
	p2 =	slt.u32 s8, $0xFFFFF086  }
0x1c: {  	p1 =	slt.u32 s9, $0xF7A;
	s5 =	simm.s32 @!p2 $0x0  }
0x1d: {  	s5 =	simm.s32 @p1 $0x1;
	p0 =	seq.s32 s7, s2  }
0x1e: {  	s7 =	smul.u32 @!p0 $0xF7A, s2;
	p2 =	seq.s32 @!p0 s5, $0x0  }
0x1f: {  	s9 =	smul.u32 $0xF7A, s1;
	s8 =	simm.s32 @!p0 $0x1BF5;
	p2 =	por !p2, p0  }
0x20: {  	[sflag:s8] =	ssyncset.s32 @!p0 $0xFFFFF086;
	s6 =	sadd.s32 @!p0 s3, s7;
	s7 =	simm.s32 @!p0 $0x108  }
0x21: {  	s3 =	sadd.s32 s3, s9;
	s6 =	sadd.s32 @!p0 $0x88, s6;
	s7 =	simm.s32 @p2 $0x1082  }
0x22: {  	[simem:s7], [sflag:s8] =	dma.local @!p0 [hbm:s6], $0xF7A  }
0x23: {  	s9 =	sor.u32 $0xD0000000, s2;
	s6 =	simm.s32 $0x108;
	_ =	swait.ge @!p0 [sflag:s8], $0x0  }
0x24: {  	s3 =	sadd.s32 $0x88, s3;
	s6 =	simm.s32 @!p1 $0x1082;
	[sflag:s4] =	ssyncset.s32 $0xFFFFF086  }
0x25: {  	[simem:s6], [sflag:s4] =	dma.local [hbm:s3], $0xF7A  }
0x26: {  	[smem:$0x3F9E] =	sst s1;
	(tag) =	ssettag s2;
	_ =	strace s9  }
0x27: {  	s1 =	sld [smem:$0x3FAE]  }
0x28: {  	s2 =	sld [smem:$0x3FAF]  }
0x29: {  	s4 =	sld [smem:$0x3FB1]  }
0x2a: {  	p0 =	seq.s32 s5, $0x0;
	s5 =	sld [smem:$0x3FB2]  }
0x2b: {  	s6 =	sld [smem:$0x3FB3]  }
0x2c: {  	s7 =	sld [smem:$0x3FB4]  }
0x2d: {  	s3 =	simm.s32 $0x108;
	s8 =	sld [smem:$0x3FB5]  }
0x2e: {  	s3 =	simm.s32 @!p0 $0x1082;
	s9 =	sld [smem:$0x3FB6]  }
0x2f: {  	lr =	sadd.s32 s0, s3;
	s0 =	sld [smem:$0x3FAD]  }
0x30: {  	s3 =	sld [smem:$0x3FB0]  }
0x31: {  	[smem:$0x3FB9] =	sst s10  }
0x32: {  	s10 =	sld [smem:$0x3FB7];
	_ =	sdelay $0x3  }
0x33: {  	p0 =	seq.s32 s10, $0x1;
	s10 =	sld [smem:$0x3FB9];
	_ =	sdelay $0x3  }
0x34: {  	[smem:$0x3FB9] =	sst s10  }
0x35: {  	s10 =	sld [smem:$0x3FB8];
	_ =	sdelay $0x3  }
0x36: {  	p1 =	seq.s32 s10, $0x1;
	s10 =	sld [smem:$0x3FB9];
	_ =	sdelay $0x3  }
0x37: {  	[smem:$0x3FB9] =	sst s10  }
0x38: {  	s10 =	sld [smem:$0x3FBA]  }
0x39: {  	_ = 	snop;
	(pc) =	sbr.ind lr, $3  }
0x3a: {  	_ = 	snop  }
0x3b: {  	_ = 	snop  }
0x3c: {  	p2 =	seq.s32 s10, $0x1;
	s10 =	sld [smem:$0x3FB9]  }
0x3d: {  	_ =	shalt  }
0x3e: {  	_ =	shalt  }
0x3f: {  	_ =	shalt  }
0x40: {  	_ =	shalt  }
0x41: {  	_ =	shalt  }
0x42: {  	_ =	shalt  }
0x43: {  	_ =	shalt  }
0x44: {  	_ =	shalt  }
0x45: {  	_ =	shalt  }
0x46: {  	_ =	shalt  }
0x47: {  	_ =	shalt  }
0x48: {  	_ =	shalt  }
0x49: {  	_ =	shalt  }
0x4a: {  	_ =	shalt  }
0x4b: {  	_ =	shalt  }
0x4c: {  	_ =	shalt  }
0x4d: {  	_ =	shalt  }
0x4e: {  	_ =	shalt  }
0x4f: {  	_ =	shalt  }
0x50: {  	_ =	shalt  }
0x51: {  	_ =	shalt  }
0x52: {  	_ =	shalt  }
0x53: {  	_ =	shalt  }
0x54: {  	_ =	shalt  }
0x55: {  	_ =	shalt  }
0x56: {  	_ =	shalt  }
0x57: {  	_ =	shalt  }
0x58: {  	_ =	shalt  }
0x59: {  	_ =	shalt  }
0x5a: {  	_ =	shalt  }
0x5b: {  	_ =	shalt  }
0x5c: {  	_ =	shalt  }
0x5d: {  	_ =	shalt  }
0x5e: {  	_ =	shalt  }
0x5f: {  	_ =	shalt  }
0x60: {  	_ =	shalt  }
0x61: {  	_ =	shalt  }
0x62: {  	_ =	shalt  }
0x63: {  	_ =	shalt  }
0x64: {  	_ =	shalt  }
0x65: {  	_ =	shalt  }
0x66: {  	_ =	shalt  }
0x67: {  	_ =	shalt  }
0x68: {  	_ =	shalt  }
0x69: {  	_ =	shalt  }
0x6a: {  	_ =	shalt  }
0x6b: {  	_ =	shalt  }
0x6c: {  	_ =	shalt  }
0x6d: {  	_ =	shalt  }
0x6e: {  	_ =	shalt  }
0x6f: {  	_ =	shalt  }
0x70: {  	_ =	shalt  }
0x71: {  	_ =	shalt  }
0x72: {  	_ =	shalt  }
0x73: {  	_ =	shalt  }
0x74: {  	_ =	shalt  }
0x75: {  	_ =	shalt  }
0x76: {  	_ =	shalt  }
0x77: {  	_ =	shalt  }
0x78: {  	_ =	shalt  }
0x79: {  	_ =	shalt  }
0x7a: {  	_ =	shalt  }
0x7b: {  	_ =	shalt  }
0x7c: {  	_ =	shalt  }
0x7d: {  	_ =	shalt  }
0x7e: {  	_ =	shalt  }
0x7f: {  	_ =	shalt  }
0x80: {  	_ =	shalt  }
0x81: {  	_ =	shalt  }
0x82: {  	_ =	shalt  }
0x83: {  	_ =	shalt  }
0x84: {  	_ =	shalt  }
0x85: {  	_ =	shalt  }
0x86: {  	_ =	shalt  }
0x87: {  	_ =	shalt  }
.Lfunc_end0:
.L_simem_size_0:
called_computation_lowered:
.L_overlay_start_0:
0x88: {  	s2 =	sld [smem:$0x3FD9]  }
0x89: {  	s3 =	sld [smem:$0x3FFE];
	_ =	sdelay $0x1  }
0x8a: {  	s1 =	srdreg.scid  }
0x8b: {  	s0 =	sand.u32 $0x1, s1  }
0x8c: {  	s14 =	sshll.u32 s0, $0xA;
	s2 =	sadd.s32 s3, s2  }
0x8d: {  	s2 =	sadd.s32 s2, s14  }
0x8e: {  	[smem:$0x3FC5] =	sst s2  }
0x8f: {  	_ = 	snop  }
0x90: {  	s2 =	sld [smem:$0x3FD0];
	_ =	sdelay $0x2  }
0x91: {  	s4 =	simm.s32 $0xA;
	s5 =	simm.s32 $0x10;
	s15 =	sld [smem:$0x3FC9]  }
0x92: {  	[smem:s5], [sflag:s4] =	dma.local [hbm:s2], $0x1  }
0x93: {  	_ =	swait.eq [sflag:s4], $0x1  }
0x94: {  	[sflag:s4] =	ssyncset.done $0x0  }
0x95: {  	s16 =	sld [smem:$0x10];
	[sflag:s4] =	ssyncadd.s32 $0xFFFFFFFF  }
0x96: {  	s17 =	sld [smem:$0x11];
	(tm) =	ssettm $0x1  }
0x97: {  	s18 =	sld [smem:$0x3FFB];
	_ =	sdelay $0x3  }
0x98: {  	_ =	strace s18  }
0x99: {  	s5 =	sld [smem:$0x3FFC];
	_ =	sdelay $0x3  }
0x9a: {  	_ =	strace s5  }
0x9b: {  	s5 =	sld [smem:$0x3FFD];
	_ =	sdelay $0x3  }
0x9c: {  	_ =	strace s5  }
0x9d: {  	_ =	strace $0x8FFFFFFF  }
0x9e: {  	s19 =	sld [smem:$0x3FDB];
	_ =	sdelay $0x1  }
0x9f: {  	s6 =	simm.s32 $_scs_section_size  }
0xa0: {  	s7 =	simm.s32 $_size__tile_overlayer_lowered;
	s8 =	simm.s32 $_tile_overlayer_lowered  }
0xa1: {  	s22 =	simm.s32 $0x1BFF;
	s21 =	sshll.u32 s8, $0x1;
	s5 =	sadd.s32 s6, s19  }
0xa2: {  	s9 =	simm.s32 $0x0;
	s20 =	sshll.u32 s7, $0x1;
	s7 =	sadd.s32 s21, s5  }
0xa3: {  	[timem:s9], [sflag:s22] =	dma.local [hbm:s7], s20  }
0xa4: {  	_ =	swait.ge [sflag:s22], s20  }
0xa5: {  	s6 =	ssub.s32 $0x0, s20;
	[sflag:s22] =	ssyncset.done $0x0  }
0xa6: {  	[sflag:s22] =	ssyncadd.s32 s6;
	_ =	sdelay $0x1  }
0xa7: {  	s23 =	simm.s32 $0x1B8B  }
0xa8: {  	_ =	swait.ge [sflag:s23], $0x1  }
0xa9: {  	[sflag:s23] =	ssyncset.done $0x0  }
0xaa: {  	s25 =	simm.s32 $0x1B8E;
	s24 =	sld [smem:$0x3FFE];
	[sflag:s23] =	ssyncadd.s32 $0xFFFFFFFF  }
0xab: {  	s26 =	simm.s32 $execute0_lowered;
	[smem:$0x3FD2] =	sst s25  }
0xac: {  	s7 =	sshll.u32 s26, $0x1;
	_ =	strace $0x80000046;
	[dreg:$0x1] =	wrdreg $0xFFFFFFFF  }
0xad: {  	s28 =	simm.s32 $_size_execute0_lowered;
	s5 =	sadd.s32 s5, s7;
	[dreg:$0x0] =	wrdreg $0x0  }
0xae: {  	s7 =	sshll.u32 s28, $0x1;
	[dreg:$0x2] =	wrdreg s5  }
0xaf: {  	[dreg:$0x3] =	wrdreg s7  }
0xb0: {  	[dreg:$0x4] =	wrdreg $0xC0  }
0xb1: {  	_ =	task [dreg:s9], $0x5FFFF  }
0xb2: {  	[dreg:$0x1] =	wrdreg $0xFFFFFFFF  }
0xb3: {  	[dreg:$0x0] =	wrdreg $0x60  }
0xb4: {  	[dreg:$0x2] =	wrdreg s16  }
0xb5: {  	[dreg:$0x3] =	wrdreg s24  }
0xb6: {  	[dreg:$0x4] =	wrdreg s15  }
0xb7: {  	[dreg:$0x5] =	wrdreg s17  }
0xb8: {  	[dreg:$0x6] =	wrdreg $0x9  }
0xb9: {  	_ =	task.clear_ibuf [dreg:s9], $0x7FFFF;
	_ =	strace $0x90000046  }
0xba: {  	s29 =	simm.s32 $0x9;
	_ =	strace $0x80000048  }
0xbb: {  	_ =	swait.ge [sflag:s29], $0x1  }
0xbc: {  	[sflag:s29] =	ssyncadd.s32 $0xFFFFFFFF  }
0xbd: {  	_ =	strace $0x90000048  }
0xbe: {  	_ =	sfence  }
0xbf: {  	s30 =	sld [smem:$0x0];
	_ =	sdelay $0x2  }
0xc0: {  	s31 =	sshll.u32 s1, $0xD;
	s1 =	sshrl.u32 s1, $0x2  }
0xc1: {  	s3 =	sand.u32 $0x4000, s31;
	s1 =	sadd.s32 s1, s30  }
0xc2: {  	s0 =	sor.u32 s3, s0;
	s1 =	sshll.u32 s1, $0x11  }
0xc3: {  	s0 =	sor.u32 s1, s0  }
0xc4: {  	s0 =	sadd.s32 $0x8F2B, s0  }
0xc5: {  	[sflag:s0] =	ssyncadd.remote.s32 $0x1  }
0xc6: {  	_ =	sfence.sel $0xFFFF  }
0xc7: {  	[dreg:$0x0] =	wrdreg $0xFFFFFFFF;
	(pc) =	sbr.abs _section_cstart, $3  }
0xc8: {  	[dreg:$0x1] =	wrdreg $0xFFFFFFFF  }
0xc9: {  	_ =	task.clear_ibuf [dreg:s9], $0x2FFFF;
	_ =	strace $0x9FFFFFFF  }
0xca: {  	(tm) =	ssettm $0x7FFFFFFF  }
0xcb: {  	_ =	shalt  }
tec
execute0_lowered:
.L_overlay_start_1:
0x0: {  	(tag) =	ssettag $0x1  }
0x1: {  	s4 =	rddreg [dreg:$0x0]  }
0x2: {  	s5 =	rddreg [dreg:$0x1]  }
0x3: {  	s2 =	rddreg [dreg:$0x2];
	s1 =	srdreg.scid  }
0x4: {  	s0 =	stileid.u32;
	s7 =	rddreg [dreg:$0x3];
	s3 =	simm.s32 $0x0  }
0x5: {  	s15 =	simm.s32 $0x68;
	s16 =	simm.s32 $0x6300;
	s17 =	simm.s32 $0x1  }
0x6: {  	s18 =	simm.s32 $0x6280;
	s6 =	sand.u32 $0x1, s1;
	s1 =	rddreg [dreg:$0x4]  }
0x7: {  	s19 =	simm.s32 $0x0;
	s8 =	sshll.u32 s0, $0x1;
	[smem:$0x7FF] =	sst s3  }
0x8: {  	s8 =	sor.u32 s6, s8;
	_ =	strace $0x80000047;
	s31 =	ssub.s32 $0x2, s6  }
0x9: {  	s9 =	smul.u32 $0x680, s8;
	s10 =	sshll.u32 s8, $0x1;
	s6 =	sshrl.u32 s31, $0x1  }
0xa: {  	s11 =	sshll.u32 s8, $0xA;
	s12 =	smul.u32 $0xE, s8;
	s14 =	sshll.u32 s8, $0xD  }
.Ltmp0:
0xb: {  	s10 =	sadd.s32 s10, s5;
	s13 =	ssub.s32 s31, s6;
	(pc) =	sbr.rel .LBB2_1-.Ltmp0, $4  }
0xc: {  	s4 =	sadd.s32 s4, s11;
	s11 =	simm.s32 $0x2080;
	v0 =	vmov s14;
	s14 =	simm.s32 $0x6180  }
0xd: {  	s9 =	sadd.s32 s9, s5;
	s5 =	sadd.s32 $0xE00, s10;
	s7 =	sadd.s32 s7, s12  }
0xe: {  	v1 =	vimm.s32 $0x0;
	s8 =	smax.u32 s13, $0x1;
	s10 =	simm.s32 $0x2000;
	s12 =	simm.s32 $0x4100  }
0xf: {  	v2 =	vlaneseq.u32;
	v3 =	vimm.s32 $0x80000000;
	vm0 =	vmmov $0xf;
	s13 =	simm.s32 $0x6200;
	s6 =	sadd.s32 $0x1000, s9;
	s9 =	simm.s32 $0x2  }
.LBB2_10:
0x10: {  	[tilespmem:s16], [sflag:$0x1] =	stream.indirect.gather [hbm4b:s2+s15], $0x80, s14, s15, $0xb8;
	[tilespmem:$0x9700] =	vst v63  }
0x11: {  	_ =	swait.ge [sflag:s17], $0x3400  }
0x12: {  	[sflag:s17] =	ssyncset.done $0x0  }
0x13: {  	[sflag:s17] =	ssyncadd.s32 $0xFFFFCC00  }
0x14: {  	v4 =	vld [tilespmem:$0x6200]  }
0x15: {  	v5 =	vld [tilespmem:$0x6210]  }
0x16: {  	v6 =	vld [tilespmem:$0x6220]  }
0x17: {  	v7 =	vld [tilespmem:$0x6230]  }
0x18: {  	v8 =	vld [tilespmem:$0x6240]  }
0x19: {  	v9 =	vld [tilespmem:$0x6250]  }
0x1a: {  	v11 =	vld [tilespmem:$0x6260];
	v10 =	vmax.f32 v4, $-1.000000020e+30  }
0x1b: {  	v5 =	vmax.f32 v10, v5  }
0x1c: {  	v5 =	vmax.f32 v5, v6  }
0x1d: {  	v5 =	vmax.f32 v5, v7  }
0x1e: {  	v5 =	vmax.f32 v5, v8  }
0x1f: {  	v46 =	vnsel vm0, $0xF149F2CA, v11;
	v5 =	vmax.f32 v5, v9  }
0x20: {  	v5 =	vmax.f32 v5, v46  }
0x21: {  	(xrf0) =	vmax.scan.msk.f32 $0xffff, v5;
	_ =	sdelay $0x5  }
0x22: {  	v47 =	vld [tilespmem:$0x6210];
	v5, _, _ =	vpop (xrf0)  }
0x23: {  	v5 =	vbroadcast v5, $0xF  }
0x24: {  	v48 =	vld [tilespmem:$0x6220]  }
0x25: {  	v4 =	vsub.f32 v4, v5  }
0x26: {  	v49 =	vld [tilespmem:$0x6230]  }
0x27: {  	v6 =	vsub.f32 v47, v5;
	v4 =	vmul.f32 $1.442695020e+00, v4  }
0x28: {  	v50 =	vld [tilespmem:$0x6240]  }
0x29: {  	v51 =	vsub.f32 v48, v5;
	(erf) = vpow2.f32 v4;
	v4 =	vmul.f32 $1.442695020e+00, v6  }
0x2a: {  	v52 =	vld [tilespmem:$0x6250]  }
0x2b: {  	v54 =	vld [tilespmem:$0x6260];
	v53 =	vsub.f32 v49, v5;
	(erf) = vpow2.f32 v4;
	v4 =	vmul.f32 $1.442695020e+00, v51;
	_ =	sdelay $0x1  }
0x2c: {  	v55 =	vsub.f32 v50, v5;
	(erf) = vpow2.f32 v4;
	v4 =	vmul.f32 $1.442695020e+00, v53;
	_ =	sdelay $0x1  }
0x2d: {  	v56 =	vsub.f32 v52, v5;
	(erf) = vpow2.f32 v4;
	v4 =	vmul.f32 $1.442695020e+00, v55  }
0x2e: {  	v57 =	vnsel vm0, $0xF149F2CA, v54  }
0x2f: {  	v5 =	vsub.f32 v57, v5;
	(erf) = vpow2.f32 v4;
	v4 =	vmul.f32 $1.442695020e+00, v56;
	_ =	sdelay $0x1  }
0x30: {  	v58 =	vpop (erf);
	(erf) = vpow2.f32 v4;
	v4 =	vmul.f32 $1.442695020e+00, v5  }
0x31: {  	v59 =	vadd.f32 $0.0e+00, v58  }
0x32: {  	v5 =	vpop (erf)  }
0x33: {  	v7 =	vadd.f32 v59, v5;
	(erf) = vpow2.f32 v4  }
0x34: {  	v4 =	vpop (erf)  }
0x35: {  	v7 =	vadd.f32 v7, v4  }
0x36: {  	v60 =	vpop (erf)  }
0x37: {  	v7 =	vadd.f32 v7, v60  }
0x38: {  	v61 =	vpop (erf)  }
0x39: {  	v7 =	vadd.f32 v7, v61  }
0x3a: {  	v62 =	vpop (erf)  }
0x3b: {  	v7 =	vadd.f32 v62, v7  }
0x3c: {  	v63 =	vpop (erf)  }
0x3d: {  	v7 =	vadd.f32 v63, v7;
	_ =	sdelay $0x1  }
0x3e: {  	(xrf2) =	vadd.scan.msk.f32 $0xffff, v7;
	_ =	sdelay $0x9  }
0x3f: {  	v7, _, _ =	vpop (xrf2)  }
0x40: {  	v7 =	vbroadcast v7, $0xF;
	_ =	sdelay $0x1  }
0x41: {  	(erf) = vrcp.f32 v7;
	_ =	sdelay $0x5  }
0x42: {  	[tilespmem:$0x6280] =	vst v58  }
0x43: {  	[tilespmem:$0x6290] =	vst v5  }
0x44: {  	[tilespmem:$0x62A0] =	vst v4  }
0x45: {  	[tilespmem:$0x62B0] =	vst v60;
	v7 =	vpop (erf)  }
0x46: {  	[tilespmem:$0x62C0] =	vst v61;
	v6 =	vmul.f32 v7, v58  }
0x47: {  	[tilespmem:$0x62D0] =	vst v62;
	v5 =	vmul.f32 v7, v5  }
0x48: {  	v4 =	vmul.f32 v7, v4;
	[tilespmem:$0x6280] =	vst v6  }
0x49: {  	[tilespmem:$0x6290] =	vst v5;
	v5 =	vmul.f32 v7, v60  }
0x4a: {  	[tilespmem:$0x62A0] =	vst v4;
	v4 =	vmul.f32 v7, v61  }
0x4b: {  	[tilespmem:$0x62B0] =	vst v5;
	v5 =	vmul.f32 v7, v62  }
0x4c: {  	[tilespmem:$0x62C0] =	vst v4;
	v4 =	vmul.f32 v7, v63  }
0x4d: {  	[tilespmem:$0x62D0] =	vst v5  }
0x4e: {  	[tilespmem:$0x62E0] =	vst v4  }
0x4f: {  	[hbm4b:s6+s3] =	stream.linear.scatter [tilespmem:s16], [sflag:$0x2], $0x3400, $0x38;
	[tilespmem:$0x9700] =	vst v63  }
0x50: {  	s19 =	sadd.s32 $0x1, s19;
	_ =	swait.ge [sflag:s9], $0x3400  }
0x51: {  	p0 =	sne.s32 s19, s8;
	[sflag:s9] =	ssyncset.done $0x0  }
.Ltmp1:
0x52: {  	[sflag:s9] =	ssyncadd.s32 $0xFFFFCC00;
	(pc) =	sbr.rel @!p0 .LBB2_11-.Ltmp1, $4  }
0x53: {  	[hbm4b:s7+s3] =	stream.linear.scatter [tilespmem:s18], [sflag:$0x2], $0x70, $0x38;
	[tilespmem:$0x9700] =	vst v63  }
0x54: {  	_ =	swait.ge [sflag:s9], $0x70  }
0x55: {  	[sflag:s9] =	ssyncset.done $0x0  }
0x56: {  	[sflag:s9] =	ssyncadd.s32 $0xFFFFFF90  }
.LBB2_1:
0x57: {  	[tilespmem:s3], [sflag:$0x2] =	stream.linear.gather [hbm4b:s4+s3], $0x2000, $0x38;
	[tilespmem:$0x9700] =	vst v63  }
0x58: {  	_ =	swait.ge [sflag:s9], $0x2000  }
0x59: {  	[sflag:s9] =	ssyncset.done $0x0  }
0x5a: {  	[sflag:s9] =	ssyncadd.s32 $0xFFFFE000  }
0x5b: {  	[tilespmem:s10], [sflag:$0x2] =	stream.linear.gather [hbm4b:s5+s3], $0x10, $0x38;
	[tilespmem:$0x9700] =	vst v63  }
0x5c: {  	_ =	swait.ge [sflag:s9], $0x10  }
0x5d: {  	[sflag:s9] =	ssyncset.done $0x0  }
0x5e: {  	[sflag:s9] =	ssyncadd.s32 $0xFFFFFFF0  }
0x5f: {  	v5 =	vld [tilespmem:s3+$0x0];
	_ =	sdelay $0x1  }
0x60: {  	v4 =	vld [tilespmem:$0x2000];
	_ =	sdelay $0x2  }
0x61: {  	v6 =	vxor.u32 $0x7FFFFFFF, v5;
	vm1 =	vlt.s32 v5, $0x0  }
0x62: {  	v5 =	vsel vm1, v6, v5  }
0x63: {  	vm1 =	vge.s32 v5, v4  }
0x64: {  	v6 =	vsel vm1, $0x1, v1  }
0x65: {  	(xrf0) =	vadd.scan.msk.s32 $0xffff, v6;
	_ =	sdelay $0x5  }
0x66: {  	v7, _, _ =	vpop (xrf0)  }
0x67: {  	v6 =	vmov s3;
	v8 =	vxor.u32 $0x80000000, v7  }
0x68: {  	v6 =	vadd.s32 $0xFFFFFFFF, v6;
	(xrf0) =	vmax.scan.msk.u32 $0xffff, v8  }
0x69: {  	v6 =	vbroadcast v6, $0x0;
	_ =	sdelay $0x1  }
0x6a: {  	v6 =	vadd.s32 v7, v6;
	_ =	sdelay $0x2  }
0x6b: {  	v7, _, _ =	vpop (xrf0)  }
0x6c: {  	(v2sf) =	vpush v7, $0xF  }
0x6d: {  	[tilespmem:v6+s11+$0x0] =	vst.idx.msk vm1, v5;
	v5 =	vor.u32 s3, v2  }
0x6e: {  	s20 =	simm.s32 $0x10;
	[tilespmem:v6+s12+$0x0] =	vst.idx.msk vm1, v5  }
0x6f: {  	s22 =	simm.s32 $0x20;
	s21 =	simm.s32 $0x0;
	s23 =	simm.s32 $0x10;
	v5 =	vld [tilespmem:s20+$0x0]  }
.LBB2_2:
0x70: {  	p0 =	sne.s32 s22, $0x1FF0;
	_ =	sdelay $0x3  }
0x71: {  	v6 =	vxor.u32 $0x7FFFFFFF, v5;
	vm1 =	vlt.s32 v5, $0x0  }
0x72: {  	v5 =	vsel vm1, v6, v5  }
0x73: {  	vm1 =	vge.s32 v5, v4  }
0x74: {  	v6 =	vsel vm1, $0x1, v1  }
0x75: {  	(xrf0) =	vadd.scan.msk.s32 $0xffff, v6;
	_ =	sdelay $0x2  }
0x76: {  	s24 =	spop (v2sf)  }
0x77: {  	s21 =	sadd.s32 s24, s21  }
0x78: {  	s21 =	sadd.s32 $0x80000000, s21  }
0x79: {  	v6 =	vmov s21;
	v7, _, _ =	vpop (xrf0)  }
0x7a: {  	v6 =	vadd.s32 $0xFFFFFFFF, v6;
	v8 =	vxor.u32 $0x80000000, v7  }
0x7b: {  	v6 =	vbroadcast v6, $0x0;
	(xrf0) =	vmax.scan.msk.u32 $0xffff, v8;
	_ =	sdelay $0x1  }
0x7c: {  	v6 =	vadd.s32 v7, v6;
	_ =	sdelay $0x3  }
.Ltmp2:
0x7d: {  	v7, _, _ =	vpop (xrf0);
	(pc) =	sbr.rel @p0 .LBB2_2-.Ltmp2, $4  }
0x7e: {  	[tilespmem:v6+s11+$0x0] =	vst.idx.msk vm1, v5;
	v5 =	vor.u32 s20, v2;
	(v2sf) =	vpush v7, $0xF;
	s20 =	smov.u32 s22  }
0x7f: {  	[tilespmem:v6+s12+$0x0] =	vst.idx.msk vm1, v5  }
0x80: {  	s23 =	sadd.s32 $0x10, s23  }
0x81: {  	s22 =	sadd.s32 $0x10, s22;
	v5 =	vld [tilespmem:s23+$0x0]  }
0x82: {  	_ =	sdelay $0x3  }
0x83: {  	v6 =	vxor.u32 $0x7FFFFFFF, v5;
	vm1 =	vlt.s32 v5, $0x0  }
0x84: {  	v5 =	vsel vm1, v6, v5  }
0x85: {  	vm1 =	vge.s32 v5, v4  }
0x86: {  	v4 =	vsel vm1, $0x1, v1  }
0x87: {  	(xrf0) =	vadd.scan.msk.s32 $0xffff, v4;
	_ =	sdelay $0x5  }
0x88: {  	v4, _, _ =	vpop (xrf0)  }
0x89: {  	v61 =	vxor.u32 $0x80000000, v4  }
0x8a: {  	(xrf0) =	vmax.scan.msk.u32 $0xffff, v61;
	_ =	sdelay $0x5  }
0x8b: {  	v6, _, _ =	vpop (xrf0)  }
0x8c: {  	(v2sf) =	vpush v6, $0xF;
	_ =	sdelay $0x6  }
0x8d: {  	s22 =	spop (v2sf)  }
0x8e: {  	s21 =	sadd.s32 s22, s21  }
0x8f: {  	s21 =	sadd.s32 $0x80000000, s21  }
0x90: {  	v62 =	vmov s21  }
0x91: {  	v6 =	vadd.s32 $0xFFFFFFFF, v62  }
0x92: {  	v6 =	vbroadcast v6, $0x0;
	_ =	sdelay $0x1  }
0x93: {  	v4 =	vadd.s32 v4, v6  }
0x94: {  	s29 =	spop (v2sf)  }
0x95: {  	s21 =	sadd.s32 s29, s21  }
0x96: {  	s21 =	sadd.s32 $0x80000000, s21  }
.Ltmp3:
0x97: {  	s30 =	sadd.s32 $0xF, s21;
	(pc) =	sbr.rel .LBB2_4-.Ltmp3, $4  }
0x98: {  	v63 =	vor.u32 s20, v2;
	[tilespmem:v4+s11+$0x0] =	vst.idx.msk vm1, v5;
	s23 =	sshra.s32 s30, $0x1F  }
0x99: {  	[tilespmem:v4+s12+$0x0] =	vst.idx.msk vm1, v63;
	s31 =	sshrl.u32 s23, $0x1C  }
0x9a: {  	s22 =	simm.s32 $0x0;
	[tilespmem:s21+$0x2080] =	vst v3;
	s20 =	sadd.s32 s31, s30  }
0x9b: {  	s21 =	simm.s32 $0x0;
	[tilespmem:$0x61D8] =	vst v1;
	p0 =	slt.s32 s30, $0x10;
	s20 =	sshra.s32 s20, $0x4  }
.LBB2_5:
0x9c: {  	v5 =	vimm.s32 $0x80000000  }
.LBB2_9:
0x9d: {  	v6 =	vxor.u32 $0x80000000, v4  }
0x9e: {  	(xrf0) =	vmax.scan.msk.u32 $0xffff, v6;
	_ =	sdelay $0x5  }
0x9f: {  	v6, _, _ =	vpop (xrf0)  }
0xa0: {  	(v2sf) =	vpush v6, $0xF;
	_ =	sdelay $0xe  }
0xa1: {  	s23 =	spop (v2sf)  }
0xa2: {  	s23 =	sxor.u32 $0x80000000, s23  }
0xa3: {  	vm1 =	veq.s32 v4, s23  }
0xa4: {  	v4 =	vnsel vm1, $0x80002000, v5  }
0xa5: {  	(xrf0) =	vmin.scan.msk.u32 $0xffff, v4;
	_ =	sdelay $0x5  }
0xa6: {  	v4, _, _ =	vpop (xrf0)  }
0xa7: {  	(v2sf) =	vpush v4, $0xF;
	_ =	sdelay $0xe  }
0xa8: {  	s31 =	spop (v2sf)  }
0xa9: {  	s23 =	sxor.u32 $0x80000000, s31  }
0xaa: {  	v4 =	vmov s23;
	_ =	sdelay $0x4  }
0xab: {  	v5 =	vld.idx.msk [tilespmem:v4+s11+$0x0], $0xffff;
	_ =	sdelay $0x1  }
0xac: {  	v7 =	vmov s22;
	v63 =	vld.idx.msk [tilespmem:v4+s12+$0x0], $0xffff  }
0xad: {  	s22 =	sadd.s32 $0x1, s22  }
0xae: {  	p1 =	sne.s32 s22, $0x64  }
.Ltmp4:
0xaf: {  	v8 =	vxor.u32 $0x7FFFFFFF, v5;
	vm1 =	vlt.s32 v5, $0x0;
	(pc) =	sbr.rel @!p1 .LBB2_10-.Ltmp4, $4  }
0xb0: {  	v5 =	vsel vm1, v8, v5  }
0xb1: {  	[tilespmem:v7+s13+$0x0] =	vst.idx.msk $0x1, v5;
	v5 =	vadd.s32 v0, v63  }
0xb2: {  	[tilespmem:v7+s14+$0x0] =	vst.idx.msk $0x1, v5  }
0xb3: {  	[tilespmem:v4+s11+$0x0] =	vst.idx.msk $0x1, v3  }
.LBB2_4:
.Ltmp5:
0xb4: {  	(pc) =	sbr.rel @p0 .LBB2_5-.Ltmp5, $2  }
0xb5: {  	_ =	sdelay $0x2  }
0xb6: {  	v4 =	vimm.s32 $0x80000000  }
0xb7: {  	s23 =	simm.s32 $0x2080  }
0xb8: {  	p1 =	sne.s32 s20, $0x1;
	v5 =	vld [tilespmem:s23+$0x0]  }
.Ltmp6:
0xb9: {  	_ = 	snop;
	(pc) =	sbr.rel @!p1 .LBB2_8-.Ltmp6, $2  }
0xba: {  	_ =	sdelay $0x2  }
0xbb: {  	v6 =	vimm.s32 $0x0;
	v7 =	vor.u32 s21, v2;
	s24 =	simm.s32 $0x2090;
	s25 =	simm.s32 $0x0;
	s23 =	sadd.s32 $0xFFFFFFFF, s20;
	vm1 =	vgt.s32 v5, v4  }
.LBB2_7:
0xbc: {  	p1 =	sne.s32 s23, $0x1;
	s23 =	sadd.s32 $0xFFFFFFFF, s23;
	v4 =	vsel vm1, v5, v4;
	v5 =	vld [tilespmem:s24+$0x0];
	v6 =	vsel vm1, v7, v6  }
.Ltmp7:
0xbd: {  	(pc) =	sbr.rel @p1 .LBB2_7-.Ltmp7, $3  }
0xbe: {  	_ =	sdelay $0x1  }
0xbf: {  	s25 =	sadd.s32 $0x10, s25  }
0xc0: {  	s24 =	sadd.s32 $0x10, s24;
	v7 =	vor.u32 s25, v2;
	vm1 =	vgt.s32 v5, v4  }
.LBB2_8:
.Ltmp8:
0xc1: {  	(pc) =	sbr.rel .LBB2_9-.Ltmp8, $3  }
0xc2: {  	_ =	sdelay $0x1  }
0xc3: {  	v6 =	vsel vm1, v7, v6  }
0xc4: {  	v4 =	vsel vm1, v5, v4;
	v5 =	vxor.u32 $0x80000000, v6  }
.LBB2_11:
0xc5: {  	_ =	sfence.sel $0x180000  }
0xc6: {  	[bflag:$0x0] =	sbarrier.arrive $0xFFFF  }
0xc7: {  	p0 =	sne.s32 s0, $0x0;
	_ =	strace $0x90000047  }
0xc8: {  	s0 =	sadd.s32 @!p0 $0x100000, s1;
	[bflag:$0x2] =	sbarrier.arrive $0xFFFF  }
0xc9: {  	[sflag:s0] =	ssyncadd.tile.s32 @!p0 $0x1;
	_ =	shalt  }
.Lfunc_end2:
_tile_overlayer_lowered:
.L_overlay_start_2:
0xca: {  	(tag) =	ssettag $0x2  }
0xcb: {  	s0 =	rddreg [dreg:$0x0];
	s2 =	stileid.u32  }
0xcc: {  	s1 =	rddreg [dreg:$0x1];
	p0 =	sne.s32 s2, $0x0  }
0xcd: {  	s3 =	rddreg [dreg:$0x2];
	[bflag:$0x3] =	sbarrier.arrive $0xFFFF;
	s2 =	simm.s32 @!p0 $0x1C02  }
0xce: {  	[timem:s3], [sflag:s2] =	dma.local @!p0 [hbm:s0], s1  }
0xcf: {  	s0 =	simm.s32 @!p0 $0x2  }
0xd0: {  	_ =	swait.ge @!p0 [sflag:s0], s1  }
0xd1: {  	s1 =	ssub.s32 @!p0 $0x0, s1;
	[sflag:s0] =	ssyncset.done @!p0 $0x0  }
0xd2: {  	[sflag:s0] =	ssyncadd.s32 @!p0 s1  }
0xd3: {  	[bflag:$0x3] =	sbarrier.arrive $0xFFFF  }
0xd4: {  	_ =	shalt  }

</sc_bundles>
